<compile_context>
chip_gen: v7x
topology: tpu7x:2x2x1
jax: 0.10.2.dev20260603
libtpu: 0.0.44.dev20260713+nightly
codegen_flags: <defaults>
</compile_context>

<pallas_src>
import functools

import jax
import jax.numpy as jnp
from jax import lax
from jax.experimental import pallas as pl
from jax.experimental.pallas import tpu as pltpu
from jax.experimental.pallas import tpu_sc as plsc

N = 10000
NP = 10240
D = 128
E = 320000
CHUNK = 128
TOT_CHUNKS = E // CHUNK
BASE = TOT_CHUNKS // 32
EXTRA = TOT_CHUNKS - 32 * BASE
PH_A = 40
PH_B = BASE - PH_A
ROWS_PER_TILE = NP // 16

_MESH = dict(core_axis_name="c", subcore_axis_name="s", num_cores=2,
             num_subcores=16)


def _build_didx(didx2, est, n):

    def _cp(j, _):
        for k in range(CHUNK // 16):
            didx2[j, pl.ds(k * 16, 16)] = est[1, pl.ds(j * CHUNK + k * 16, 16)]
        return _

    lax.fori_loop(0, n, _cp, None)


def _deg_body(edge_hbm, deg_out, est, didx2, buf_v, deg_sh, sem_v):
    c = lax.axis_index("c")
    s = lax.axis_index("s")
    wid = c * 16 + s

    def _z(i, _):
        buf_v[pl.ds(i * 16, 16)] = jnp.zeros((16,), jnp.float32)
        return _

    lax.fori_loop(0, ROWS_PER_TILE // 16, _z, None)
    pltpu.sync_copy(buf_v, deg_sh.at[pl.ds(s * ROWS_PER_TILE, ROWS_PER_TILE)])
    plsc.subcore_barrier()

    def _o(i, _):
        buf_v[pl.ds(i * 16, 16)] = jnp.ones((16,), jnp.float32)
        return _

    lax.fori_loop(0, CHUNK // 16, _o, None)
    ones = buf_v.at[pl.ds(0, CHUNK)]

    pltpu.sync_copy(edge_hbm.at[:, pl.ds(wid * BASE * CHUNK, BASE * CHUNK)],
                    est.at[:, pl.ds(0, BASE * CHUNK)])
    _build_didx(didx2, est, BASE)

    def _grp(g, _):
        for i in range(2):
            pltpu.async_copy(ones, deg_sh.at[didx2.at[g * 2 + i]], sem_v,
                             add=True)
        for i in range(2):
            pltpu.make_async_copy(ones, deg_sh.at[didx2.at[g * 2 + i]],
                                  sem_v).wait()
        return _

    lax.fori_loop(0, BASE // 2, _grp, None)

    @pl.when(s == 0)
    def _():
        pltpu.sync_copy(edge_hbm.at[:, pl.ds((32 * BASE + 2 * c) * CHUNK,
                                             2 * CHUNK)],
                        est.at[:, pl.ds(0, 2 * CHUNK)])
        _build_didx(didx2, est, 2)
        for j in range(2):
            pltpu.sync_copy(ones, deg_sh.at[didx2.at[j]], add=True)

    plsc.subcore_barrier()

    pltpu.sync_copy(deg_sh.at[pl.ds(s * ROWS_PER_TILE, ROWS_PER_TILE)],
                    deg_out.at[c, pl.ds(s * ROWS_PER_TILE, ROWS_PER_TILE)])


_deg_call = functools.partial(
    pl.kernel,
    out_type=jax.ShapeDtypeStruct((2, NP), jnp.float32),
    mesh=plsc.VectorSubcoreMesh(**_MESH),
    scratch_types=[
        pltpu.VMEM((2, BASE * CHUNK), jnp.int32),
        pltpu.VMEM((BASE, CHUNK), jnp.int32),
        pltpu.VMEM((ROWS_PER_TILE,), jnp.float32),
        pltpu.VMEM_SHARED((NP,), jnp.float32),
        pltpu.SemaphoreType.DMA,
    ],
)(_deg_body)


def _mm_body(x_ref, w_ref, deg_ref, hp_ref):
    d = deg_ref[0, :] + deg_ref[1, :]
    dinv = lax.rsqrt(jnp.maximum(d, 1.0))
    h = jnp.dot(x_ref[...], w_ref[...], preferred_element_type=jnp.float32)
    hp_ref[...] = h * dinv[:, None]


def _mm_call(x, w, deg2):
    return pl.pallas_call(
        _mm_body,
        grid=(NP // 2048,),
        in_specs=[
            pl.BlockSpec((2048, D), lambda i: (i, 0)),
            pl.BlockSpec((D, D), lambda i: (0, 0)),
            pl.BlockSpec((2, 2048), lambda i: (0, i)),
        ],
        out_specs=pl.BlockSpec((2048, D), lambda i: (i, 0)),
        out_shape=jax.ShapeDtypeStruct((NP, D), jnp.float32),
    )(x, w, deg2)


def _scat_body(hp_hbm, edge_hbm, acc_out, est, didx2, buf0, buf1,
               acc_sh, sem0, sem1):
    c = lax.axis_index("c")
    s = lax.axis_index("s")
    wid = c * 16 + s
    bufs = (buf0, buf1)
    sems = (sem0, sem1)

    def _z(r, _):
        for k in range(D // 16):
            buf0[r, pl.ds(k * 16, 16)] = jnp.zeros((16,), jnp.float32)
        return _

    lax.fori_loop(0, CHUNK, _z, None)
    for k in range(ROWS_PER_TILE // CHUNK):
        pltpu.sync_copy(buf0,
                        acc_sh.at[pl.ds(s * ROWS_PER_TILE + k * CHUNK, CHUNK)])
    plsc.subcore_barrier()

    for ph, (off, n) in enumerate(((0, PH_A), (PH_A, PH_B))):
        pltpu.sync_copy(edge_hbm.at[:, pl.ds((wid * BASE + off) * CHUNK,
                                             n * CHUNK)],
                        est.at[:, pl.ds(0, n * CHUNK)])
        _build_didx(didx2, est, n)

        def _sidx(j):
            return est.at[0, pl.ds(j * CHUNK, CHUNK)]

        pltpu.async_copy(hp_hbm.at[_sidx(0)], buf0, sem0)
        pltpu.async_copy(hp_hbm.at[_sidx(1)], buf1, sem1)

        def _pair(k, _):
            for b in range(2):
                j = 2 * k + b
                pltpu.make_async_copy(hp_hbm.at[_sidx(j)], bufs[b],
                                      sems[b]).wait()
                pltpu.sync_copy(bufs[b], acc_sh.at[didx2.at[j]], add=True)

                @pl.when(j + 2 < n)
                def _():
                    pltpu.async_copy(hp_hbm.at[_sidx(j + 2)], bufs[b],
                                     sems[b])
            return _

        lax.fori_loop(0, n // 2, _pair, None)

    @pl.when(s == 0)
    def _():
        pltpu.sync_copy(edge_hbm.at[:, pl.ds((32 * BASE + 2 * c) * CHUNK,
                                             2 * CHUNK)],
                        est.at[:, pl.ds(0, 2 * CHUNK)])
        _build_didx(didx2, est, 2)
        for j in range(2):
            pltpu.sync_copy(hp_hbm.at[est.at[0, pl.ds(j * CHUNK, CHUNK)]],
                            buf0)
            pltpu.sync_copy(buf0, acc_sh.at[didx2.at[j]], add=True)

    plsc.subcore_barrier()

    r0 = s * ROWS_PER_TILE
    pltpu.sync_copy(acc_sh.at[pl.ds(r0, ROWS_PER_TILE)],
                    acc_out.at[c, pl.ds(r0, ROWS_PER_TILE)])


_scat_call = functools.partial(
    pl.kernel,
    out_type=jax.ShapeDtypeStruct((2, NP, D), jnp.float32),
    mesh=plsc.VectorSubcoreMesh(**_MESH),
    scratch_types=[
        pltpu.VMEM((2, PH_A * CHUNK), jnp.int32),
        pltpu.VMEM((PH_A, CHUNK), jnp.int32),
        pltpu.VMEM((CHUNK, D), jnp.float32),
        pltpu.VMEM((CHUNK, D), jnp.float32),
        pltpu.VMEM_SHARED((NP, D), jnp.float32),
        pltpu.SemaphoreType.DMA,
        pltpu.SemaphoreType.DMA,
    ],
)(_scat_body)


def _fin_body(acc_ref, deg_ref, b_ref, out_ref):
    d = deg_ref[0, :] + deg_ref[1, :]
    dinv = lax.rsqrt(jnp.maximum(d, 1.0))
    acc = acc_ref[0] + acc_ref[1]
    out_ref[...] = jnp.maximum(acc * dinv[:, None] + b_ref[...], 0.0)


def _fin_call(acc2, deg2, b):
    return pl.pallas_call(
        _fin_body,
        grid=(NP // 2048,),
        in_specs=[
            pl.BlockSpec((2, 2048, D), lambda i: (0, i, 0)),
            pl.BlockSpec((2, 2048), lambda i: (0, i)),
            pl.BlockSpec((D,), lambda i: (0,)),
        ],
        out_specs=pl.BlockSpec((2048, D), lambda i: (i, 0)),
        out_shape=jax.ShapeDtypeStruct((N, D), jnp.float32),
    )(acc2, deg2, b)


def kernel(x, edge, edge_type, edge_norm, W, b):
    del edge_type, edge_norm
    deg2 = _deg_call(edge)
    hp = _mm_call(x, W, deg2)
    acc2 = _scat_call(hp, edge)
    return _fin_call(acc2, deg2, b)

# --- scband reference (transcript-rebuilt; emitter-appended) ---
"""Pipeline reference for scband-conv-eparam-4930622455859 (READ-ONLY COPY).

The authoritative reference and input builder live on the scoring server;
editing this copy changes nothing except your own understanding.
"""

import jax, jax.numpy as jnp
import numpy as np

N_NODES = 10000
N_EDGES = 320000
D_FEAT = 128
REL_TOTAL = 237


def setup_inputs(seed: int = 0) -> dict:
    key = jax.random.key(seed)
    k1, k2, k3, k4, k5 = jax.random.split(key, 5)
    x = jax.random.normal(k1, (N_NODES, D_FEAT), dtype=jnp.float32)
    edge = jax.random.randint(k2, (2, N_EDGES), 0, N_NODES, dtype=jnp.int32)
    edge_type = jax.random.randint(k3, (N_EDGES,), 0, REL_TOTAL, dtype=jnp.int32)
    edge_norm = jax.random.uniform(k4, (N_EDGES,), dtype=jnp.float32)
    # learned parameters of the single GCN conv layer (GCNCov1: input_dim -> nfeats)
    W = jax.random.normal(k5, (D_FEAT, D_FEAT), dtype=jnp.float32) * 0.05
    b = jnp.zeros((D_FEAT,), dtype=jnp.float32)
    return {"x": x, "edge": edge, "edge_type": edge_type, "edge_norm": edge_norm, "W": W, "b": b}


def reference(x, edge, edge_type, edge_norm, W, b):
    # ConvEParam.forward with args.CN == 'GCN' dispatches to self.cn(x, edge):
    # a single GCN convolution layer (GCNCov1). edge_type / edge_norm are only
    # consumed on the RGCN path and are unused here.
    src = edge[0]
    dst = edge[1]
    N = x.shape[0]
    # symmetric degree normalization (standard GCN)
    ones = jnp.ones((src.shape[0],), dtype=jnp.float32)
    deg = jnp.zeros((N,), dtype=jnp.float32).at[dst].add(ones)
    deg = jnp.maximum(deg, 1.0)
    dinv = jax.lax.rsqrt(deg)
    norm = dinv[src] * dinv[dst]
    # transform, gather messages along edges, scatter-add to destination nodes
    h = x @ W
    msg = h[src] * norm[:, None]
    out = jnp.zeros((N, h.shape[1]), dtype=jnp.float32).at[dst].add(msg)
    out = out + b
    return jax.nn.relu(out)

if __name__ == "__main__":
    import jax
    _d = setup_inputs()
    print(jax.jit(kernel)(*tuple(_d.values())))

</pallas_src>

<mosaic_0001>
#map = affine_map<(d0, d1) -> (0, 0)>
#map1 = affine_map<(d0, d1) -> (0, 0, 0)>
module attributes {stable_mosaic.version = 14 : i64} {
  func.func @_scat_body(%arg0: i32, %arg1: i32, %arg2: memref<10240x128xf32, #tpu.memory_space<hbm>>, %arg3: memref<2x320000xi32, #tpu.memory_space<hbm>>, %arg4: memref<2x10240x128xf32, #tpu.memory_space<hbm>>, %arg5: memref<2x5120xi32, #tpu.memory_space<vmem>>, %arg6: memref<40x128xi32, #tpu.memory_space<vmem>>, %arg7: memref<128x128xf32, #tpu.memory_space<vmem>>, %arg8: memref<128x128xf32, #tpu.memory_space<vmem>>, %arg9: memref<10240x128xf32, #tpu.memory_space<vmem_shared>>, %arg10: memref<!tpu.dma_semaphore, #tpu.memory_space<semaphore_mem>>, %arg11: memref<!tpu.dma_semaphore, #tpu.memory_space<semaphore_mem>>) attributes {dimension_semantics = [#tpu.dimension_semantics<core_parallel>, #tpu.dimension_semantics<subcore_parallel>], iteration_bounds = array<i64: 2, 16>, scalar_prefetch = 0 : i64, scratch_operands = 7 : i64, tpu.core_type = #tpu.core_type<sc_vector_subcore>, window_params = [{transform_indices = #map}, {transform_indices = #map}, {transform_indices = #map1}]} {
    %mul3A = arith.constant 16 : i32
    %mul3A_0 = arith.muli %arg0, %mul3A : i32
    %add3A = arith.addi %mul3A_0, %arg1 : i32
    %scan3A = arith.constant 0 : i32
    %scan3A_1 = arith.constant 128 : i32
    %scan3A_2 = arith.addi %scan3A, %scan3A_1 : i32
    %scan3A_3 = arith.constant 1 : i32
    scf.for %scan3A_89 = %scan3A to %scan3A_2 step %scan3A_3  : i32 {
      %broadcast_in_dim3A = arith.constant 0.000000e+00 : f32
      %broadcast_in_dim3A_90 = vector.broadcast %broadcast_in_dim3A : f32 to vector<16xf32>
      %swap3A = arith.index_cast %scan3A_89 : i32 to index
      %swap3A_91 = arith.constant 0 : index
      %swap3A_92 = tpu.vector_load %arg7[%swap3A, %swap3A_91] {strides = array<i32>} : memref<128x128xf32, #tpu.memory_space<vmem>>, vector<1x16xf32>,
      %swap3A_93 = vector.shape_cast %swap3A_92 : vector<1x16xf32> to vector<16xf32>
      %swap3A_94 = vector.shape_cast %broadcast_in_dim3A_90 : vector<16xf32> to vector<1x16xf32>
      tpu.vector_store %arg7[%swap3A, %swap3A_91], %swap3A_94 {strides = array<i32>} : memref<128x128xf32, #tpu.memory_space<vmem>>, vector<1x16xf32>,
      %broadcast_in_dim3A_95 = arith.constant 0.000000e+00 : f32
      %broadcast_in_dim3A_96 = vector.broadcast %broadcast_in_dim3A_95 : f32 to vector<16xf32>
      %swap3A_97 = arith.index_cast %scan3A_89 : i32 to index
      %swap3A_98 = arith.constant 16 : index
      %swap3A_99 = tpu.vector_load %arg7[%swap3A_97, %swap3A_98] {strides = array<i32>} : memref<128x128xf32, #tpu.memory_space<vmem>>, vector<1x16xf32>,
      %swap3A_100 = vector.shape_cast %swap3A_99 : vector<1x16xf32> to vector<16xf32>
      %swap3A_101 = vector.shape_cast %broadcast_in_dim3A_96 : vector<16xf32> to vector<1x16xf32>
      tpu.vector_store %arg7[%swap3A_97, %swap3A_98], %swap3A_101 {strides = array<i32>} : memref<128x128xf32, #tpu.memory_space<vmem>>, vector<1x16xf32>,
      %broadcast_in_dim3A_102 = arith.constant 0.000000e+00 : f32
      %broadcast_in_dim3A_103 = vector.broadcast %broadcast_in_dim3A_102 : f32 to vector<16xf32>
      %swap3A_104 = arith.index_cast %scan3A_89 : i32 to index
      %swap3A_105 = arith.constant 32 : index
      %swap3A_106 = tpu.vector_load %arg7[%swap3A_104, %swap3A_105] {strides = array<i32>} : memref<128x128xf32, #tpu.memory_space<vmem>>, vector<1x16xf32>,
      %swap3A_107 = vector.shape_cast %swap3A_106 : vector<1x16xf32> to vector<16xf32>
      %swap3A_108 = vector.shape_cast %broadcast_in_dim3A_103 : vector<16xf32> to vector<1x16xf32>
      tpu.vector_store %arg7[%swap3A_104, %swap3A_105], %swap3A_108 {strides = array<i32>} : memref<128x128xf32, #tpu.memory_space<vmem>>, vector<1x16xf32>,
      %broadcast_in_dim3A_109 = arith.constant 0.000000e+00 : f32
      %broadcast_in_dim3A_110 = vector.broadcast %broadcast_in_dim3A_109 : f32 to vector<16xf32>
      %swap3A_111 = arith.index_cast %scan3A_89 : i32 to index
      %swap3A_112 = arith.constant 48 : index
      %swap3A_113 = tpu.vector_load %arg7[%swap3A_111, %swap3A_112] {strides = array<i32>} : memref<128x128xf32, #tpu.memory_space<vmem>>, vector<1x16xf32>,
      %swap3A_114 = vector.shape_cast %swap3A_113 : vector<1x16xf32> to vector<16xf32>
      %swap3A_115 = vector.shape_cast %broadcast_in_dim3A_110 : vector<16xf32> to vector<1x16xf32>
      tpu.vector_store %arg7[%swap3A_111, %swap3A_112], %swap3A_115 {strides = array<i32>} : memref<128x128xf32, #tpu.memory_space<vmem>>, vector<1x16xf32>,
      %broadcast_in_dim3A_116 = arith.constant 0.000000e+00 : f32
      %broadcast_in_dim3A_117 = vector.broadcast %broadcast_in_dim3A_116 : f32 to vector<16xf32>
      %swap3A_118 = arith.index_cast %scan3A_89 : i32 to index
      %swap3A_119 = arith.constant 64 : index
      %swap3A_120 = tpu.vector_load %arg7[%swap3A_118, %swap3A_119] {strides = array<i32>} : memref<128x128xf32, #tpu.memory_space<vmem>>, vector<1x16xf32>,
      %swap3A_121 = vector.shape_cast %swap3A_120 : vector<1x16xf32> to vector<16xf32>
      %swap3A_122 = vector.shape_cast %broadcast_in_dim3A_117 : vector<16xf32> to vector<1x16xf32>
      tpu.vector_store %arg7[%swap3A_118, %swap3A_119], %swap3A_122 {strides = array<i32>} : memref<128x128xf32, #tpu.memory_space<vmem>>, vector<1x16xf32>,
      %broadcast_in_dim3A_123 = arith.constant 0.000000e+00 : f32
      %broadcast_in_dim3A_124 = vector.broadcast %broadcast_in_dim3A_123 : f32 to vector<16xf32>
      %swap3A_125 = arith.index_cast %scan3A_89 : i32 to index
      %swap3A_126 = arith.constant 80 : index
      %swap3A_127 = tpu.vector_load %arg7[%swap3A_125, %swap3A_126] {strides = array<i32>} : memref<128x128xf32, #tpu.memory_space<vmem>>, vector<1x16xf32>,
      %swap3A_128 = vector.shape_cast %swap3A_127 : vector<1x16xf32> to vector<16xf32>
      %swap3A_129 = vector.shape_cast %broadcast_in_dim3A_124 : vector<16xf32> to vector<1x16xf32>
      tpu.vector_store %arg7[%swap3A_125, %swap3A_126], %swap3A_129 {strides = array<i32>} : memref<128x128xf32, #tpu.memory_space<vmem>>, vector<1x16xf32>,
      %broadcast_in_dim3A_130 = arith.constant 0.000000e+00 : f32
      %broadcast_in_dim3A_131 = vector.broadcast %broadcast_in_dim3A_130 : f32 to vector<16xf32>
      %swap3A_132 = arith.index_cast %scan3A_89 : i32 to index
      %swap3A_133 = arith.constant 96 : index
      %swap3A_134 = tpu.vector_load %arg7[%swap3A_132, %swap3A_133] {strides = array<i32>} : memref<128x128xf32, #tpu.memory_space<vmem>>, vector<1x16xf32>,
      %swap3A_135 = vector.shape_cast %swap3A_134 : vector<1x16xf32> to vector<16xf32>
      %swap3A_136 = vector.shape_cast %broadcast_in_dim3A_131 : vector<16xf32> to vector<1x16xf32>
      tpu.vector_store %arg7[%swap3A_132, %swap3A_133], %swap3A_136 {strides = array<i32>} : memref<128x128xf32, #tpu.memory_space<vmem>>, vector<1x16xf32>,
      %broadcast_in_dim3A_137 = arith.constant 0.000000e+00 : f32
      %broadcast_in_dim3A_138 = vector.broadcast %broadcast_in_dim3A_137 : f32 to vector<16xf32>
      %swap3A_139 = arith.index_cast %scan3A_89 : i32 to index
      %swap3A_140 = arith.constant 112 : index
      %swap3A_141 = tpu.vector_load %arg7[%swap3A_139, %swap3A_140] {strides = array<i32>} : memref<128x128xf32, #tpu.memory_space<vmem>>, vector<1x16xf32>,
      %swap3A_142 = vector.shape_cast %swap3A_141 : vector<1x16xf32> to vector<16xf32>
      %swap3A_143 = vector.shape_cast %broadcast_in_dim3A_138 : vector<16xf32> to vector<1x16xf32>
      tpu.vector_store %arg7[%swap3A_139, %swap3A_140], %swap3A_143 {strides = array<i32>} : memref<128x128xf32, #tpu.memory_space<vmem>>, vector<1x16xf32>,
    }
    %scan3A_4 = arith.constant 128 : i32
    %mul3A_5 = arith.constant 640 : i32
    %mul3A_6 = arith.muli %arg1, %mul3A_5 : i32
    %add3A_7 = arith.constant 0 : i32
    %add3A_8 = arith.addi %mul3A_6, %add3A_7 : i32
    "tpu.region"() ({
      %run_scoped3A = tpu.sem_alloc : memref<!tpu.dma_semaphore, #tpu.memory_space<semaphore_mem>>
      %dma_start3A_89 = arith.constant 0 : i32
      %dma_start3A_90 = tpu.memref_slice %arg9[%add3A_8, %dma_start3A_89] : memref<10240x128xf32, #tpu.memory_space<vmem_shared>> -> memref<128x128xf32, #tpu.memory_space<vmem_shared>>
      %dma_start3A_91 = arith.constant 0 : i32
      %dma_start3A_92 = tpu.memref_slice %arg9[%add3A_8, %dma_start3A_91] : memref<10240x128xf32, #tpu.memory_space<vmem_shared>> -> memref<128x128xf32, #tpu.memory_space<vmem_shared>>
      tpu.enqueue_dma source(%arg7 : memref<128x128xf32, #tpu.memory_space<vmem>>) target(%dma_start3A_92 : memref<128x128xf32, #tpu.memory_space<vmem_shared>>) target_semaphore(%run_scoped3A : memref<!tpu.dma_semaphore, #tpu.memory_space<semaphore_mem>>)
      %dma_wait3A = arith.constant 0 : i32
      %dma_wait3A_93 = tpu.memref_slice %arg9[%add3A_8, %dma_wait3A] : memref<10240x128xf32, #tpu.memory_space<vmem_shared>> -> memref<128x128xf32, #tpu.memory_space<vmem_shared>>
      %dma_wait3A_94 = arith.constant 0 : i32
      %dma_wait3A_95 = tpu.memref_slice %arg9[%add3A_8, %dma_wait3A_94] : memref<10240x128xf32, #tpu.memory_space<vmem_shared>> -> memref<128x128xf32, #tpu.memory_space<vmem_shared>>
      tpu.wait_dma2 semaphore(%run_scoped3A : memref<!tpu.dma_semaphore, #tpu.memory_space<semaphore_mem>>) src(%arg7 : memref<128x128xf32, #tpu.memory_space<vmem>>) dst(%dma_wait3A_95 : memref<128x128xf32, #tpu.memory_space<vmem_shared>>)
      tpu.yield
    }) : () -> ()
    %mul3A_9 = arith.constant 640 : i32
    %mul3A_10 = arith.muli %arg1, %mul3A_9 : i32
    %add3A_11 = arith.constant 128 : i32
    %add3A_12 = arith.addi %mul3A_10, %add3A_11 : i32
    "tpu.region"() ({
      %run_scoped3A = tpu.sem_alloc : memref<!tpu.dma_semaphore, #tpu.memory_space<semaphore_mem>>
      %dma_start3A_89 = arith.constant 0 : i32
      %dma_start3A_90 = tpu.memref_slice %arg9[%add3A_12, %dma_start3A_89] : memref<10240x128xf32, #tpu.memory_space<vmem_shared>> -> memref<128x128xf32, #tpu.memory_space<vmem_shared>>
      %dma_start3A_91 = arith.constant 0 : i32
      %dma_start3A_92 = tpu.memref_slice %arg9[%add3A_12, %dma_start3A_91] : memref<10240x128xf32, #tpu.memory_space<vmem_shared>> -> memref<128x128xf32, #tpu.memory_space<vmem_shared>>
      tpu.enqueue_dma source(%arg7 : memref<128x128xf32, #tpu.memory_space<vmem>>) target(%dma_start3A_92 : memref<128x128xf32, #tpu.memory_space<vmem_shared>>) target_semaphore(%run_scoped3A : memref<!tpu.dma_semaphore, #tpu.memory_space<semaphore_mem>>)
      %dma_wait3A = arith.constant 0 : i32
      %dma_wait3A_93 = tpu.memref_slice %arg9[%add3A_12, %dma_wait3A] : memref<10240x128xf32, #tpu.memory_space<vmem_shared>> -> memref<128x128xf32, #tpu.memory_space<vmem_shared>>
      %dma_wait3A_94 = arith.constant 0 : i32
      %dma_wait3A_95 = tpu.memref_slice %arg9[%add3A_12, %dma_wait3A_94] : memref<10240x128xf32, #tpu.memory_space<vmem_shared>> -> memref<128x128xf32, #tpu.memory_space<vmem_shared>>
      tpu.wait_dma2 semaphore(%run_scoped3A : memref<!tpu.dma_semaphore, #tpu.memory_space<semaphore_mem>>) src(%arg7 : memref<128x128xf32, #tpu.memory_space<vmem>>) dst(%dma_wait3A_95 : memref<128x128xf32, #tpu.memory_space<vmem_shared>>)
      tpu.yield
    }) : () -> ()
    %mul3A_13 = arith.constant 640 : i32
    %mul3A_14 = arith.muli %arg1, %mul3A_13 : i32
    %add3A_15 = arith.constant 256 : i32
    %add3A_16 = arith.addi %mul3A_14, %add3A_15 : i32
    "tpu.region"() ({
      %run_scoped3A = tpu.sem_alloc : memref<!tpu.dma_semaphore, #tpu.memory_space<semaphore_mem>>
      %dma_start3A_89 = arith.constant 0 : i32
      %dma_start3A_90 = tpu.memref_slice %arg9[%add3A_16, %dma_start3A_89] : memref<10240x128xf32, #tpu.memory_space<vmem_shared>> -> memref<128x128xf32, #tpu.memory_space<vmem_shared>>
      %dma_start3A_91 = arith.constant 0 : i32
      %dma_start3A_92 = tpu.memref_slice %arg9[%add3A_16, %dma_start3A_91] : memref<10240x128xf32, #tpu.memory_space<vmem_shared>> -> memref<128x128xf32, #tpu.memory_space<vmem_shared>>
      tpu.enqueue_dma source(%arg7 : memref<128x128xf32, #tpu.memory_space<vmem>>) target(%dma_start3A_92 : memref<128x128xf32, #tpu.memory_space<vmem_shared>>) target_semaphore(%run_scoped3A : memref<!tpu.dma_semaphore, #tpu.memory_space<semaphore_mem>>)
      %dma_wait3A = arith.constant 0 : i32
      %dma_wait3A_93 = tpu.memref_slice %arg9[%add3A_16, %dma_wait3A] : memref<10240x128xf32, #tpu.memory_space<vmem_shared>> -> memref<128x128xf32, #tpu.memory_space<vmem_shared>>
      %dma_wait3A_94 = arith.constant 0 : i32
      %dma_wait3A_95 = tpu.memref_slice %arg9[%add3A_16, %dma_wait3A_94] : memref<10240x128xf32, #tpu.memory_space<vmem_shared>> -> memref<128x128xf32, #tpu.memory_space<vmem_shared>>
      tpu.wait_dma2 semaphore(%run_scoped3A : memref<!tpu.dma_semaphore, #tpu.memory_space<semaphore_mem>>) src(%arg7 : memref<128x128xf32, #tpu.memory_space<vmem>>) dst(%dma_wait3A_95 : memref<128x128xf32, #tpu.memory_space<vmem_shared>>)
      tpu.yield
    }) : () -> ()
    %mul3A_17 = arith.constant 640 : i32
    %mul3A_18 = arith.muli %arg1, %mul3A_17 : i32
    %add3A_19 = arith.constant 384 : i32
    %add3A_20 = arith.addi %mul3A_18, %add3A_19 : i32
    "tpu.region"() ({
      %run_scoped3A = tpu.sem_alloc : memref<!tpu.dma_semaphore, #tpu.memory_space<semaphore_mem>>
      %dma_start3A_89 = arith.constant 0 : i32
      %dma_start3A_90 = tpu.memref_slice %arg9[%add3A_20, %dma_start3A_89] : memref<10240x128xf32, #tpu.memory_space<vmem_shared>> -> memref<128x128xf32, #tpu.memory_space<vmem_shared>>
      %dma_start3A_91 = arith.constant 0 : i32
      %dma_start3A_92 = tpu.memref_slice %arg9[%add3A_20, %dma_start3A_91] : memref<10240x128xf32, #tpu.memory_space<vmem_shared>> -> memref<128x128xf32, #tpu.memory_space<vmem_shared>>
      tpu.enqueue_dma source(%arg7 : memref<128x128xf32, #tpu.memory_space<vmem>>) target(%dma_start3A_92 : memref<128x128xf32, #tpu.memory_space<vmem_shared>>) target_semaphore(%run_scoped3A : memref<!tpu.dma_semaphore, #tpu.memory_space<semaphore_mem>>)
      %dma_wait3A = arith.constant 0 : i32
      %dma_wait3A_93 = tpu.memref_slice %arg9[%add3A_20, %dma_wait3A] : memref<10240x128xf32, #tpu.memory_space<vmem_shared>> -> memref<128x128xf32, #tpu.memory_space<vmem_shared>>
      %dma_wait3A_94 = arith.constant 0 : i32
      %dma_wait3A_95 = tpu.memref_slice %arg9[%add3A_20, %dma_wait3A_94] : memref<10240x128xf32, #tpu.memory_space<vmem_shared>> -> memref<128x128xf32, #tpu.memory_space<vmem_shared>>
      tpu.wait_dma2 semaphore(%run_scoped3A : memref<!tpu.dma_semaphore, #tpu.memory_space<semaphore_mem>>) src(%arg7 : memref<128x128xf32, #tpu.memory_space<vmem>>) dst(%dma_wait3A_95 : memref<128x128xf32, #tpu.memory_space<vmem_shared>>)
      tpu.yield
    }) : () -> ()
    %mul3A_21 = arith.constant 640 : i32
    %mul3A_22 = arith.muli %arg1, %mul3A_21 : i32
    %add3A_23 = arith.constant 512 : i32
    %add3A_24 = arith.addi %mul3A_22, %add3A_23 : i32
    "tpu.region"() ({
      %run_scoped3A = tpu.sem_alloc : memref<!tpu.dma_semaphore, #tpu.memory_space<semaphore_mem>>
      %dma_start3A_89 = arith.constant 0 : i32
      %dma_start3A_90 = tpu.memref_slice %arg9[%add3A_24, %dma_start3A_89] : memref<10240x128xf32, #tpu.memory_space<vmem_shared>> -> memref<128x128xf32, #tpu.memory_space<vmem_shared>>
      %dma_start3A_91 = arith.constant 0 : i32
      %dma_start3A_92 = tpu.memref_slice %arg9[%add3A_24, %dma_start3A_91] : memref<10240x128xf32, #tpu.memory_space<vmem_shared>> -> memref<128x128xf32, #tpu.memory_space<vmem_shared>>
      tpu.enqueue_dma source(%arg7 : memref<128x128xf32, #tpu.memory_space<vmem>>) target(%dma_start3A_92 : memref<128x128xf32, #tpu.memory_space<vmem_shared>>) target_semaphore(%run_scoped3A : memref<!tpu.dma_semaphore, #tpu.memory_space<semaphore_mem>>)
      %dma_wait3A = arith.constant 0 : i32
      %dma_wait3A_93 = tpu.memref_slice %arg9[%add3A_24, %dma_wait3A] : memref<10240x128xf32, #tpu.memory_space<vmem_shared>> -> memref<128x128xf32, #tpu.memory_space<vmem_shared>>
      %dma_wait3A_94 = arith.constant 0 : i32
      %dma_wait3A_95 = tpu.memref_slice %arg9[%add3A_24, %dma_wait3A_94] : memref<10240x128xf32, #tpu.memory_space<vmem_shared>> -> memref<128x128xf32, #tpu.memory_space<vmem_shared>>
      tpu.wait_dma2 semaphore(%run_scoped3A : memref<!tpu.dma_semaphore, #tpu.memory_space<semaphore_mem>>) src(%arg7 : memref<128x128xf32, #tpu.memory_space<vmem>>) dst(%dma_wait3A_95 : memref<128x128xf32, #tpu.memory_space<vmem_shared>>)
      tpu.yield
    }) : () -> ()
    %barrier3A = arith.constant 0 : index
    tpu.barrier barrier_id(%barrier3A)
    %mul3A_25 = arith.constant 78 : i32
    %mul3A_26 = arith.muli %add3A, %mul3A_25 : i32
    %add3A_27 = arith.constant 0 : i32
    %add3A_28 = arith.addi %mul3A_26, %add3A_27 : i32
    %mul3A_29 = arith.constant 128 : i32
    %mul3A_30 = arith.muli %add3A_28, %mul3A_29 : i32
    "tpu.region"() ({
      %run_scoped3A = tpu.sem_alloc : memref<!tpu.dma_semaphore, #tpu.memory_space<semaphore_mem>>
      %dma_start3A_89 = arith.constant 0 : i32
      %dma_start3A_90 = arith.constant 0 : i32
      %dma_start3A_91 = tpu.memref_slice %arg5[%dma_start3A_89, %dma_start3A_90] : memref<2x5120xi32, #tpu.memory_space<vmem>> -> memref<2x5120xi32, #tpu.memory_space<vmem>>
      %dma_start3A_92 = arith.constant 0 : i32
      %dma_start3A_93 = tpu.memref_slice %arg3[%dma_start3A_92, %mul3A_30] : memref<2x320000xi32, #tpu.memory_space<hbm>> -> memref<2x5120xi32, #tpu.memory_space<hbm>>
      %dma_start3A_94 = arith.constant 0 : i32
      %dma_start3A_95 = arith.constant 0 : i32
      %dma_start3A_96 = tpu.memref_slice %arg5[%dma_start3A_94, %dma_start3A_95] : memref<2x5120xi32, #tpu.memory_space<vmem>> -> memref<2x5120xi32, #tpu.memory_space<vmem>>
      %dma_start3A_97 = arith.constant 0 : i32
      %dma_start3A_98 = tpu.memref_slice %arg3[%dma_start3A_97, %mul3A_30] : memref<2x320000xi32, #tpu.memory_space<hbm>> -> memref<2x5120xi32, #tpu.memory_space<hbm>>
      tpu.enqueue_dma source(%dma_start3A_98 : memref<2x5120xi32, #tpu.memory_space<hbm>>) target(%dma_start3A_96 : memref<2x5120xi32, #tpu.memory_space<vmem>>) target_semaphore(%run_scoped3A : memref<!tpu.dma_semaphore, #tpu.memory_space<semaphore_mem>>)
      %dma_wait3A = arith.constant 0 : i32
      %dma_wait3A_99 = arith.constant 0 : i32
      %dma_wait3A_100 = tpu.memref_slice %arg5[%dma_wait3A, %dma_wait3A_99] : memref<2x5120xi32, #tpu.memory_space<vmem>> -> memref<2x5120xi32, #tpu.memory_space<vmem>>
      %dma_wait3A_101 = arith.constant 0 : i32
      %dma_wait3A_102 = tpu.memref_slice %arg3[%dma_wait3A_101, %mul3A_30] : memref<2x320000xi32, #tpu.memory_space<hbm>> -> memref<2x5120xi32, #tpu.memory_space<hbm>>
      %dma_wait3A_103 = arith.constant 0 : i32
      %dma_wait3A_104 = arith.constant 0 : i32
      %dma_wait3A_105 = tpu.memref_slice %arg5[%dma_wait3A_103, %dma_wait3A_104] : memref<2x5120xi32, #tpu.memory_space<vmem>> -> memref<2x5120xi32, #tpu.memory_space<vmem>>
      %dma_wait3A_106 = arith.constant 0 : i32
      %dma_wait3A_107 = tpu.memref_slice %arg3[%dma_wait3A_106, %mul3A_30] : memref<2x320000xi32, #tpu.memory_space<hbm>> -> memref<2x5120xi32, #tpu.memory_space<hbm>>
      tpu.wait_dma2 semaphore(%run_scoped3A : memref<!tpu.dma_semaphore, #tpu.memory_space<semaphore_mem>>) src(%dma_wait3A_107 : memref<2x5120xi32, #tpu.memory_space<hbm>>) dst(%dma_wait3A_105 : memref<2x5120xi32, #tpu.memory_space<vmem>>)
      tpu.yield
    }) : () -> ()
    %scan3A_31 = arith.constant 0 : i32
    %scan3A_32 = arith.constant 40 : i32
    %scan3A_33 = arith.addi %scan3A_31, %scan3A_32 : i32
    %scan3A_34 = arith.constant 1 : i32
    scf.for %scan3A_89 = %scan3A_31 to %scan3A_33 step %scan3A_34  : i32 {
      %mul3A_90 = arith.constant 128 : i32
      %mul3A_91 = arith.muli %scan3A_89, %mul3A_90 : i32
      %add3A_92 = arith.constant 0 : i32
      %add3A_93 = arith.addi %mul3A_91, %add3A_92 : i32
      %get3A = arith.constant 1 : i32
      %get3A_94 = arith.index_cast %get3A : i32 to index
      %get3A_95 = arith.index_cast %add3A_93 : i32 to index
      %get3A_96 = tpu.vector_load %arg5[%get3A_94, %get3A_95] {strides = array<i32>} : memref<2x5120xi32, #tpu.memory_space<vmem>>, vector<1x16xi32>,
      %get3A_97 = vector.shape_cast %get3A_96 : vector<1x16xi32> to vector<16xi32>
      %swap3A = arith.index_cast %scan3A_89 : i32 to index
      %swap3A_98 = arith.constant 0 : index
      %swap3A_99 = tpu.vector_load %arg6[%swap3A, %swap3A_98] {strides = array<i32>} : memref<40x128xi32, #tpu.memory_space<vmem>>, vector<1x16xi32>,
      %swap3A_100 = vector.shape_cast %swap3A_99 : vector<1x16xi32> to vector<16xi32>
      %swap3A_101 = vector.shape_cast %get3A_97 : vector<16xi32> to vector<1x16xi32>
      tpu.vector_store %arg6[%swap3A, %swap3A_98], %swap3A_101 {strides = array<i32>} : memref<40x128xi32, #tpu.memory_space<vmem>>, vector<1x16xi32>,
      %mul3A_102 = arith.constant 128 : i32
      %mul3A_103 = arith.muli %scan3A_89, %mul3A_102 : i32
      %add3A_104 = arith.constant 16 : i32
      %add3A_105 = arith.addi %mul3A_103, %add3A_104 : i32
      %get3A_106 = arith.constant 1 : i32
      %get3A_107 = arith.index_cast %get3A_106 : i32 to index
      %get3A_108 = arith.index_cast %add3A_105 : i32 to index
      %get3A_109 = tpu.vector_load %arg5[%get3A_107, %get3A_108] {strides = array<i32>} : memref<2x5120xi32, #tpu.memory_space<vmem>>, vector<1x16xi32>,
      %get3A_110 = vector.shape_cast %get3A_109 : vector<1x16xi32> to vector<16xi32>
      %swap3A_111 = arith.index_cast %scan3A_89 : i32 to index
      %swap3A_112 = arith.constant 16 : index
      %swap3A_113 = tpu.vector_load %arg6[%swap3A_111, %swap3A_112] {strides = array<i32>} : memref<40x128xi32, #tpu.memory_space<vmem>>, vector<1x16xi32>,
      %swap3A_114 = vector.shape_cast %swap3A_113 : vector<1x16xi32> to vector<16xi32>
      %swap3A_115 = vector.shape_cast %get3A_110 : vector<16xi32> to vector<1x16xi32>
      tpu.vector_store %arg6[%swap3A_111, %swap3A_112], %swap3A_115 {strides = array<i32>} : memref<40x128xi32, #tpu.memory_space<vmem>>, vector<1x16xi32>,
      %mul3A_116 = arith.constant 128 : i32
      %mul3A_117 = arith.muli %scan3A_89, %mul3A_116 : i32
      %add3A_118 = arith.constant 32 : i32
      %add3A_119 = arith.addi %mul3A_117, %add3A_118 : i32
      %get3A_120 = arith.constant 1 : i32
      %get3A_121 = arith.index_cast %get3A_120 : i32 to index
      %get3A_122 = arith.index_cast %add3A_119 : i32 to index
      %get3A_123 = tpu.vector_load %arg5[%get3A_121, %get3A_122] {strides = array<i32>} : memref<2x5120xi32, #tpu.memory_space<vmem>>, vector<1x16xi32>,
      %get3A_124 = vector.shape_cast %get3A_123 : vector<1x16xi32> to vector<16xi32>
      %swap3A_125 = arith.index_cast %scan3A_89 : i32 to index
      %swap3A_126 = arith.constant 32 : index
      %swap3A_127 = tpu.vector_load %arg6[%swap3A_125, %swap3A_126] {strides = array<i32>} : memref<40x128xi32, #tpu.memory_space<vmem>>, vector<1x16xi32>,
      %swap3A_128 = vector.shape_cast %swap3A_127 : vector<1x16xi32> to vector<16xi32>
      %swap3A_129 = vector.shape_cast %get3A_124 : vector<16xi32> to vector<1x16xi32>
      tpu.vector_store %arg6[%swap3A_125, %swap3A_126], %swap3A_129 {strides = array<i32>} : memref<40x128xi32, #tpu.memory_space<vmem>>, vector<1x16xi32>,
      %mul3A_130 = arith.constant 128 : i32
      %mul3A_131 = arith.muli %scan3A_89, %mul3A_130 : i32
      %add3A_132 = arith.constant 48 : i32
      %add3A_133 = arith.addi %mul3A_131, %add3A_132 : i32
      %get3A_134 = arith.constant 1 : i32
      %get3A_135 = arith.index_cast %get3A_134 : i32 to index
      %get3A_136 = arith.index_cast %add3A_133 : i32 to index
      %get3A_137 = tpu.vector_load %arg5[%get3A_135, %get3A_136] {strides = array<i32>} : memref<2x5120xi32, #tpu.memory_space<vmem>>, vector<1x16xi32>,
      %get3A_138 = vector.shape_cast %get3A_137 : vector<1x16xi32> to vector<16xi32>
      %swap3A_139 = arith.index_cast %scan3A_89 : i32 to index
      %swap3A_140 = arith.constant 48 : index
      %swap3A_141 = tpu.vector_load %arg6[%swap3A_139, %swap3A_140] {strides = array<i32>} : memref<40x128xi32, #tpu.memory_space<vmem>>, vector<1x16xi32>,
      %swap3A_142 = vector.shape_cast %swap3A_141 : vector<1x16xi32> to vector<16xi32>
      %swap3A_143 = vector.shape_cast %get3A_138 : vector<16xi32> to vector<1x16xi32>
      tpu.vector_store %arg6[%swap3A_139, %swap3A_140], %swap3A_143 {strides = array<i32>} : memref<40x128xi32, #tpu.memory_space<vmem>>, vector<1x16xi32>,
      %mul3A_144 = arith.constant 128 : i32
      %mul3A_145 = arith.muli %scan3A_89, %mul3A_144 : i32
      %add3A_146 = arith.constant 64 : i32
      %add3A_147 = arith.addi %mul3A_145, %add3A_146 : i32
      %get3A_148 = arith.constant 1 : i32
      %get3A_149 = arith.index_cast %get3A_148 : i32 to index
      %get3A_150 = arith.index_cast %add3A_147 : i32 to index
      %get3A_151 = tpu.vector_load %arg5[%get3A_149, %get3A_150] {strides = array<i32>} : memref<2x5120xi32, #tpu.memory_space<vmem>>, vector<1x16xi32>,
      %get3A_152 = vector.shape_cast %get3A_151 : vector<1x16xi32> to vector<16xi32>
      %swap3A_153 = arith.index_cast %scan3A_89 : i32 to index
      %swap3A_154 = arith.constant 64 : index
      %swap3A_155 = tpu.vector_load %arg6[%swap3A_153, %swap3A_154] {strides = array<i32>} : memref<40x128xi32, #tpu.memory_space<vmem>>, vector<1x16xi32>,
      %swap3A_156 = vector.shape_cast %swap3A_155 : vector<1x16xi32> to vector<16xi32>
      %swap3A_157 = vector.shape_cast %get3A_152 : vector<16xi32> to vector<1x16xi32>
      tpu.vector_store %arg6[%swap3A_153, %swap3A_154], %swap3A_157 {strides = array<i32>} : memref<40x128xi32, #tpu.memory_space<vmem>>, vector<1x16xi32>,
      %mul3A_158 = arith.constant 128 : i32
      %mul3A_159 = arith.muli %scan3A_89, %mul3A_158 : i32
      %add3A_160 = arith.constant 80 : i32
      %add3A_161 = arith.addi %mul3A_159, %add3A_160 : i32
      %get3A_162 = arith.constant 1 : i32
      %get3A_163 = arith.index_cast %get3A_162 : i32 to index
      %get3A_164 = arith.index_cast %add3A_161 : i32 to index
      %get3A_165 = tpu.vector_load %arg5[%get3A_163, %get3A_164] {strides = array<i32>} : memref<2x5120xi32, #tpu.memory_space<vmem>>, vector<1x16xi32>,
      %get3A_166 = vector.shape_cast %get3A_165 : vector<1x16xi32> to vector<16xi32>
      %swap3A_167 = arith.index_cast %scan3A_89 : i32 to index
      %swap3A_168 = arith.constant 80 : index
      %swap3A_169 = tpu.vector_load %arg6[%swap3A_167, %swap3A_168] {strides = array<i32>} : memref<40x128xi32, #tpu.memory_space<vmem>>, vector<1x16xi32>,
      %swap3A_170 = vector.shape_cast %swap3A_169 : vector<1x16xi32> to vector<16xi32>
      %swap3A_171 = vector.shape_cast %get3A_166 : vector<16xi32> to vector<1x16xi32>
      tpu.vector_store %arg6[%swap3A_167, %swap3A_168], %swap3A_171 {strides = array<i32>} : memref<40x128xi32, #tpu.memory_space<vmem>>, vector<1x16xi32>,
      %mul3A_172 = arith.constant 128 : i32
      %mul3A_173 = arith.muli %scan3A_89, %mul3A_172 : i32
      %add3A_174 = arith.constant 96 : i32
      %add3A_175 = arith.addi %mul3A_173, %add3A_174 : i32
      %get3A_176 = arith.constant 1 : i32
      %get3A_177 = arith.index_cast %get3A_176 : i32 to index
      %get3A_178 = arith.index_cast %add3A_175 : i32 to index
      %get3A_179 = tpu.vector_load %arg5[%get3A_177, %get3A_178] {strides = array<i32>} : memref<2x5120xi32, #tpu.memory_space<vmem>>, vector<1x16xi32>,
      %get3A_180 = vector.shape_cast %get3A_179 : vector<1x16xi32> to vector<16xi32>
      %swap3A_181 = arith.index_cast %scan3A_89 : i32 to index
      %swap3A_182 = arith.constant 96 : index
      %swap3A_183 = tpu.vector_load %arg6[%swap3A_181, %swap3A_182] {strides = array<i32>} : memref<40x128xi32, #tpu.memory_space<vmem>>, vector<1x16xi32>,
      %swap3A_184 = vector.shape_cast %swap3A_183 : vector<1x16xi32> to vector<16xi32>
      %swap3A_185 = vector.shape_cast %get3A_180 : vector<16xi32> to vector<1x16xi32>
      tpu.vector_store %arg6[%swap3A_181, %swap3A_182], %swap3A_185 {strides = array<i32>} : memref<40x128xi32, #tpu.memory_space<vmem>>, vector<1x16xi32>,
      %mul3A_186 = arith.constant 128 : i32
      %mul3A_187 = arith.muli %scan3A_89, %mul3A_186 : i32
      %add3A_188 = arith.constant 112 : i32
      %add3A_189 = arith.addi %mul3A_187, %add3A_188 : i32
      %get3A_190 = arith.constant 1 : i32
      %get3A_191 = arith.index_cast %get3A_190 : i32 to index
      %get3A_192 = arith.index_cast %add3A_189 : i32 to index
      %get3A_193 = tpu.vector_load %arg5[%get3A_191, %get3A_192] {strides = array<i32>} : memref<2x5120xi32, #tpu.memory_space<vmem>>, vector<1x16xi32>,
      %get3A_194 = vector.shape_cast %get3A_193 : vector<1x16xi32> to vector<16xi32>
      %swap3A_195 = arith.index_cast %scan3A_89 : i32 to index
      %swap3A_196 = arith.constant 112 : index
      %swap3A_197 = tpu.vector_load %arg6[%swap3A_195, %swap3A_196] {strides = array<i32>} : memref<40x128xi32, #tpu.memory_space<vmem>>, vector<1x16xi32>,
      %swap3A_198 = vector.shape_cast %swap3A_197 : vector<1x16xi32> to vector<16xi32>
      %swap3A_199 = vector.shape_cast %get3A_194 : vector<16xi32> to vector<1x16xi32>
      tpu.vector_store %arg6[%swap3A_195, %swap3A_196], %swap3A_199 {strides = array<i32>} : memref<40x128xi32, #tpu.memory_space<vmem>>, vector<1x16xi32>,
    }
    %scan3A_35 = arith.constant 40 : i32
    %dma_start3A = arith.constant 0 : i32
    %dma_start3A_36 = arith.constant 0 : i32
    %dma_start3A_37 = tpu.memref_slice %arg5[%dma_start3A, %dma_start3A_36] : memref<2x5120xi32, #tpu.memory_space<vmem>> -> memref<1x128xi32, #tpu.memory_space<vmem>>
    %dma_start3A_38 = tpu.memref_squeeze %dma_start3A_37 : memref<1x128xi32, #tpu.memory_space<vmem>> -> memref<128xi32, #tpu.memory_space<vmem>>
    %dma_start3A_39 = arith.constant 0 : i32
    %dma_start3A_40 = arith.constant 0 : i32
    %dma_start3A_41 = tpu.memref_slice %arg2[%dma_start3A_39, %dma_start3A_40] : memref<10240x128xf32, #tpu.memory_space<hbm>> -> memref<10240x128xf32, #tpu.memory_space<hbm>>
    tpu.enqueue_indirect_dma source(%dma_start3A_41 : memref<10240x128xf32, #tpu.memory_space<hbm>>) target(%arg7 : memref<128x128xf32, #tpu.memory_space<vmem>>) offsets(%dma_start3A_38 : memref<128xi32, #tpu.memory_space<vmem>>) semaphore(%arg10 : memref<!tpu.dma_semaphore, #tpu.memory_space<semaphore_mem>>)
    %dma_start3A_42 = arith.constant 0 : i32
    %dma_start3A_43 = arith.constant 128 : i32
    %dma_start3A_44 = tpu.memref_slice %arg5[%dma_start3A_42, %dma_start3A_43] : memref<2x5120xi32, #tpu.memory_space<vmem>> -> memref<1x128xi32, #tpu.memory_space<vmem>>
    %dma_start3A_45 = tpu.memref_squeeze %dma_start3A_44 : memref<1x128xi32, #tpu.memory_space<vmem>> -> memref<128xi32, #tpu.memory_space<vmem>>
    %dma_start3A_46 = arith.constant 0 : i32
    %dma_start3A_47 = arith.constant 0 : i32
    %dma_start3A_48 = tpu.memref_slice %arg2[%dma_start3A_46, %dma_start3A_47] : memref<10240x128xf32, #tpu.memory_space<hbm>> -> memref<10240x128xf32, #tpu.memory_space<hbm>>
    tpu.enqueue_indirect_dma source(%dma_start3A_48 : memref<10240x128xf32, #tpu.memory_space<hbm>>) target(%arg8 : memref<128x128xf32, #tpu.memory_space<vmem>>) offsets(%dma_start3A_45 : memref<128xi32, #tpu.memory_space<vmem>>) semaphore(%arg11 : memref<!tpu.dma_semaphore, #tpu.memory_space<semaphore_mem>>)
    %scan3A_49 = arith.constant 0 : i32
    %scan3A_50 = arith.constant 20 : i32
    %scan3A_51 = arith.addi %scan3A_49, %scan3A_50 : i32
    %scan3A_52 = arith.constant 1 : i32
    scf.for %scan3A_89 = %scan3A_49 to %scan3A_51 step %scan3A_52  : i32 {
      %mul3A_90 = arith.constant 2 : i32
      %mul3A_91 = arith.muli %mul3A_90, %scan3A_89 : i32
      %add3A_92 = arith.constant 0 : i32
      %add3A_93 = arith.addi %mul3A_91, %add3A_92 : i32
      %mul3A_94 = arith.constant 128 : i32
      %mul3A_95 = arith.muli %add3A_93, %mul3A_94 : i32
      %dma_wait3A = arith.constant 0 : i32
      %dma_wait3A_96 = tpu.memref_slice %arg5[%dma_wait3A, %mul3A_95] : memref<2x5120xi32, #tpu.memory_space<vmem>> -> memref<1x128xi32, #tpu.memory_space<vmem>>
      %dma_wait3A_97 = tpu.memref_squeeze %dma_wait3A_96 : memref<1x128xi32, #tpu.memory_space<vmem>> -> memref<128xi32, #tpu.memory_space<vmem>>
      %dma_wait3A_98 = arith.constant 0 : i32
      %dma_wait3A_99 = arith.constant 0 : i32
      %dma_wait3A_100 = tpu.memref_slice %arg2[%dma_wait3A_98, %dma_wait3A_99] : memref<10240x128xf32, #tpu.memory_space<hbm>> -> memref<10240x128xf32, #tpu.memory_space<hbm>>
      tpu.wait_indirect_dma semaphore(%arg10 : memref<!tpu.dma_semaphore, #tpu.memory_space<semaphore_mem>>) src(%dma_wait3A_100 : memref<10240x128xf32, #tpu.memory_space<hbm>>) dst(%arg7 : memref<128x128xf32, #tpu.memory_space<vmem>>)
      "tpu.region"() ({
        %run_scoped3A = tpu.sem_alloc : memref<!tpu.dma_semaphore, #tpu.memory_space<semaphore_mem>>
        %dma_start3A_126 = arith.constant 0 : i32
        %dma_start3A_127 = tpu.memref_slice %arg6[%add3A_93, %dma_start3A_126] : memref<40x128xi32, #tpu.memory_space<vmem>> -> memref<1x128xi32, #tpu.memory_space<vmem>>
        %dma_start3A_128 = tpu.memref_squeeze %dma_start3A_127 : memref<1x128xi32, #tpu.memory_space<vmem>> -> memref<128xi32, #tpu.memory_space<vmem>>
        %dma_start3A_129 = arith.constant 0 : i32
        %dma_start3A_130 = arith.constant 0 : i32
        %dma_start3A_131 = tpu.memref_slice %arg9[%dma_start3A_129, %dma_start3A_130] : memref<10240x128xf32, #tpu.memory_space<vmem_shared>> -> memref<10240x128xf32, #tpu.memory_space<vmem_shared>>
        tpu.enqueue_indirect_dma source(%arg7 : memref<128x128xf32, #tpu.memory_space<vmem>>) target(%dma_start3A_131 : memref<10240x128xf32, #tpu.memory_space<vmem_shared>>) offsets(%dma_start3A_128 : memref<128xi32, #tpu.memory_space<vmem>>) semaphore(%run_scoped3A : memref<!tpu.dma_semaphore, #tpu.memory_space<semaphore_mem>>) {add = true}
        %dma_wait3A_132 = arith.constant 0 : i32
        %dma_wait3A_133 = tpu.memref_slice %arg6[%add3A_93, %dma_wait3A_132] : memref<40x128xi32, #tpu.memory_space<vmem>> -> memref<1x128xi32, #tpu.memory_space<vmem>>
        %dma_wait3A_134 = tpu.memref_squeeze %dma_wait3A_133 : memref<1x128xi32, #tpu.memory_space<vmem>> -> memref<128xi32, #tpu.memory_space<vmem>>
        %dma_wait3A_135 = arith.constant 0 : i32
        %dma_wait3A_136 = arith.constant 0 : i32
        %dma_wait3A_137 = tpu.memref_slice %arg9[%dma_wait3A_135, %dma_wait3A_136] : memref<10240x128xf32, #tpu.memory_space<vmem_shared>> -> memref<10240x128xf32, #tpu.memory_space<vmem_shared>>
        tpu.wait_indirect_dma semaphore(%run_scoped3A : memref<!tpu.dma_semaphore, #tpu.memory_space<semaphore_mem>>) src(%arg7 : memref<128x128xf32, #tpu.memory_space<vmem>>) dst(%dma_wait3A_137 : memref<10240x128xf32, #tpu.memory_space<vmem_shared>>)
        tpu.yield
      }) : () -> ()
      %add3A_101 = arith.constant 2 : i32
      %add3A_102 = arith.addi %add3A_93, %add3A_101 : i32
      %lt3A = arith.constant 40 : i32
      %lt3A_103 = arith.cmpi slt, %add3A_102, %lt3A : i32
      %convert_element_type3A_104 = arith.extui %lt3A_103 : i1 to i32
      %cond3A_105 = arith.constant 0 : i32
      %cond3A_106 = arith.cmpi ne, %convert_element_type3A_104, %cond3A_105 : i32
      scf.if %cond3A_106 {
        %add3A_126 = arith.constant 2 : i32
        %add3A_127 = arith.addi %add3A_93, %add3A_126 : i32
        %mul3A_128 = arith.constant 128 : i32
        %mul3A_129 = arith.muli %add3A_127, %mul3A_128 : i32
        %dma_start3A_130 = arith.constant 0 : i32
        %dma_start3A_131 = tpu.memref_slice %arg5[%dma_start3A_130, %mul3A_129] : memref<2x5120xi32, #tpu.memory_space<vmem>> -> memref<1x128xi32, #tpu.memory_space<vmem>>
        %dma_start3A_132 = tpu.memref_squeeze %dma_start3A_131 : memref<1x128xi32, #tpu.memory_space<vmem>> -> memref<128xi32, #tpu.memory_space<vmem>>
        %dma_start3A_133 = arith.constant 0 : i32
        %dma_start3A_134 = arith.constant 0 : i32
        %dma_start3A_135 = tpu.memref_slice %arg2[%dma_start3A_133, %dma_start3A_134] : memref<10240x128xf32, #tpu.memory_space<hbm>> -> memref<10240x128xf32, #tpu.memory_space<hbm>>
        tpu.enqueue_indirect_dma source(%dma_start3A_135 : memref<10240x128xf32, #tpu.memory_space<hbm>>) target(%arg7 : memref<128x128xf32, #tpu.memory_space<vmem>>) offsets(%dma_start3A_132 : memref<128xi32, #tpu.memory_space<vmem>>) semaphore(%arg10 : memref<!tpu.dma_semaphore, #tpu.memory_space<semaphore_mem>>)
      } else {
      }
      %mul3A_107 = arith.constant 2 : i32
      %mul3A_108 = arith.muli %mul3A_107, %scan3A_89 : i32
      %add3A_109 = arith.constant 1 : i32
      %add3A_110 = arith.addi %mul3A_108, %add3A_109 : i32
      %mul3A_111 = arith.constant 128 : i32
      %mul3A_112 = arith.muli %add3A_110, %mul3A_111 : i32
      %dma_wait3A_113 = arith.constant 0 : i32
      %dma_wait3A_114 = tpu.memref_slice %arg5[%dma_wait3A_113, %mul3A_112] : memref<2x5120xi32, #tpu.memory_space<vmem>> -> memref<1x128xi32, #tpu.memory_space<vmem>>
      %dma_wait3A_115 = tpu.memref_squeeze %dma_wait3A_114 : memref<1x128xi32, #tpu.memory_space<vmem>> -> memref<128xi32, #tpu.memory_space<vmem>>
      %dma_wait3A_116 = arith.constant 0 : i32
      %dma_wait3A_117 = arith.constant 0 : i32
      %dma_wait3A_118 = tpu.memref_slice %arg2[%dma_wait3A_116, %dma_wait3A_117] : memref<10240x128xf32, #tpu.memory_space<hbm>> -> memref<10240x128xf32, #tpu.memory_space<hbm>>
      tpu.wait_indirect_dma semaphore(%arg11 : memref<!tpu.dma_semaphore, #tpu.memory_space<semaphore_mem>>) src(%dma_wait3A_118 : memref<10240x128xf32, #tpu.memory_space<hbm>>) dst(%arg8 : memref<128x128xf32, #tpu.memory_space<vmem>>)
      "tpu.region"() ({
        %run_scoped3A = tpu.sem_alloc : memref<!tpu.dma_semaphore, #tpu.memory_space<semaphore_mem>>
        %dma_start3A_126 = arith.constant 0 : i32
        %dma_start3A_127 = tpu.memref_slice %arg6[%add3A_110, %dma_start3A_126] : memref<40x128xi32, #tpu.memory_space<vmem>> -> memref<1x128xi32, #tpu.memory_space<vmem>>
        %dma_start3A_128 = tpu.memref_squeeze %dma_start3A_127 : memref<1x128xi32, #tpu.memory_space<vmem>> -> memref<128xi32, #tpu.memory_space<vmem>>
        %dma_start3A_129 = arith.constant 0 : i32
        %dma_start3A_130 = arith.constant 0 : i32
        %dma_start3A_131 = tpu.memref_slice %arg9[%dma_start3A_129, %dma_start3A_130] : memref<10240x128xf32, #tpu.memory_space<vmem_shared>> -> memref<10240x128xf32, #tpu.memory_space<vmem_shared>>
        tpu.enqueue_indirect_dma source(%arg8 : memref<128x128xf32, #tpu.memory_space<vmem>>) target(%dma_start3A_131 : memref<10240x128xf32, #tpu.memory_space<vmem_shared>>) offsets(%dma_start3A_128 : memref<128xi32, #tpu.memory_space<vmem>>) semaphore(%run_scoped3A : memref<!tpu.dma_semaphore, #tpu.memory_space<semaphore_mem>>) {add = true}
        %dma_wait3A_132 = arith.constant 0 : i32
        %dma_wait3A_133 = tpu.memref_slice %arg6[%add3A_110, %dma_wait3A_132] : memref<40x128xi32, #tpu.memory_space<vmem>> -> memref<1x128xi32, #tpu.memory_space<vmem>>
        %dma_wait3A_134 = tpu.memref_squeeze %dma_wait3A_133 : memref<1x128xi32, #tpu.memory_space<vmem>> -> memref<128xi32, #tpu.memory_space<vmem>>
        %dma_wait3A_135 = arith.constant 0 : i32
        %dma_wait3A_136 = arith.constant 0 : i32
        %dma_wait3A_137 = tpu.memref_slice %arg9[%dma_wait3A_135, %dma_wait3A_136] : memref<10240x128xf32, #tpu.memory_space<vmem_shared>> -> memref<10240x128xf32, #tpu.memory_space<vmem_shared>>
        tpu.wait_indirect_dma semaphore(%run_scoped3A : memref<!tpu.dma_semaphore, #tpu.memory_space<semaphore_mem>>) src(%arg8 : memref<128x128xf32, #tpu.memory_space<vmem>>) dst(%dma_wait3A_137 : memref<10240x128xf32, #tpu.memory_space<vmem_shared>>)
        tpu.yield
      }) : () -> ()
      %add3A_119 = arith.constant 2 : i32
      %add3A_120 = arith.addi %add3A_110, %add3A_119 : i32
      %lt3A_121 = arith.constant 40 : i32
      %lt3A_122 = arith.cmpi slt, %add3A_120, %lt3A_121 : i32
      %convert_element_type3A_123 = arith.extui %lt3A_122 : i1 to i32
      %cond3A_124 = arith.constant 0 : i32
      %cond3A_125 = arith.cmpi ne, %convert_element_type3A_123, %cond3A_124 : i32
      scf.if %cond3A_125 {
        %add3A_126 = arith.constant 2 : i32
        %add3A_127 = arith.addi %add3A_110, %add3A_126 : i32
        %mul3A_128 = arith.constant 128 : i32
        %mul3A_129 = arith.muli %add3A_127, %mul3A_128 : i32
        %dma_start3A_130 = arith.constant 0 : i32
        %dma_start3A_131 = tpu.memref_slice %arg5[%dma_start3A_130, %mul3A_129] : memref<2x5120xi32, #tpu.memory_space<vmem>> -> memref<1x128xi32, #tpu.memory_space<vmem>>
        %dma_start3A_132 = tpu.memref_squeeze %dma_start3A_131 : memref<1x128xi32, #tpu.memory_space<vmem>> -> memref<128xi32, #tpu.memory_space<vmem>>
        %dma_start3A_133 = arith.constant 0 : i32
        %dma_start3A_134 = arith.constant 0 : i32
        %dma_start3A_135 = tpu.memref_slice %arg2[%dma_start3A_133, %dma_start3A_134] : memref<10240x128xf32, #tpu.memory_space<hbm>> -> memref<10240x128xf32, #tpu.memory_space<hbm>>
        tpu.enqueue_indirect_dma source(%dma_start3A_135 : memref<10240x128xf32, #tpu.memory_space<hbm>>) target(%arg8 : memref<128x128xf32, #tpu.memory_space<vmem>>) offsets(%dma_start3A_132 : memref<128xi32, #tpu.memory_space<vmem>>) semaphore(%arg11 : memref<!tpu.dma_semaphore, #tpu.memory_space<semaphore_mem>>)
      } else {
      }
    }
    %scan3A_53 = arith.constant 20 : i32
    %mul3A_54 = arith.constant 78 : i32
    %mul3A_55 = arith.muli %add3A, %mul3A_54 : i32
    %add3A_56 = arith.constant 40 : i32
    %add3A_57 = arith.addi %mul3A_55, %add3A_56 : i32
    %mul3A_58 = arith.constant 128 : i32
    %mul3A_59 = arith.muli %add3A_57, %mul3A_58 : i32
    "tpu.region"() ({
      %run_scoped3A = tpu.sem_alloc : memref<!tpu.dma_semaphore, #tpu.memory_space<semaphore_mem>>
      %dma_start3A_89 = arith.constant 0 : i32
      %dma_start3A_90 = arith.constant 0 : i32
      %dma_start3A_91 = tpu.memref_slice %arg5[%dma_start3A_89, %dma_start3A_90] : memref<2x5120xi32, #tpu.memory_space<vmem>> -> memref<2x4864xi32, #tpu.memory_space<vmem>>
      %dma_start3A_92 = arith.constant 0 : i32
      %dma_start3A_93 = tpu.memref_slice %arg3[%dma_start3A_92, %mul3A_59] : memref<2x320000xi32, #tpu.memory_space<hbm>> -> memref<2x4864xi32, #tpu.memory_space<hbm>>
      %dma_start3A_94 = arith.constant 0 : i32
      %dma_start3A_95 = arith.constant 0 : i32
      %dma_start3A_96 = tpu.memref_slice %arg5[%dma_start3A_94, %dma_start3A_95] : memref<2x5120xi32, #tpu.memory_space<vmem>> -> memref<2x4864xi32, #tpu.memory_space<vmem>>
      %dma_start3A_97 = arith.constant 0 : i32
      %dma_start3A_98 = tpu.memref_slice %arg3[%dma_start3A_97, %mul3A_59] : memref<2x320000xi32, #tpu.memory_space<hbm>> -> memref<2x4864xi32, #tpu.memory_space<hbm>>
      tpu.enqueue_dma source(%dma_start3A_98 : memref<2x4864xi32, #tpu.memory_space<hbm>>) target(%dma_start3A_96 : memref<2x4864xi32, #tpu.memory_space<vmem>>) target_semaphore(%run_scoped3A : memref<!tpu.dma_semaphore, #tpu.memory_space<semaphore_mem>>)
      %dma_wait3A = arith.constant 0 : i32
      %dma_wait3A_99 = arith.constant 0 : i32
      %dma_wait3A_100 = tpu.memref_slice %arg5[%dma_wait3A, %dma_wait3A_99] : memref<2x5120xi32, #tpu.memory_space<vmem>> -> memref<2x4864xi32, #tpu.memory_space<vmem>>
      %dma_wait3A_101 = arith.constant 0 : i32
      %dma_wait3A_102 = tpu.memref_slice %arg3[%dma_wait3A_101, %mul3A_59] : memref<2x320000xi32, #tpu.memory_space<hbm>> -> memref<2x4864xi32, #tpu.memory_space<hbm>>
      %dma_wait3A_103 = arith.constant 0 : i32
      %dma_wait3A_104 = arith.constant 0 : i32
      %dma_wait3A_105 = tpu.memref_slice %arg5[%dma_wait3A_103, %dma_wait3A_104] : memref<2x5120xi32, #tpu.memory_space<vmem>> -> memref<2x4864xi32, #tpu.memory_space<vmem>>
      %dma_wait3A_106 = arith.constant 0 : i32
      %dma_wait3A_107 = tpu.memref_slice %arg3[%dma_wait3A_106, %mul3A_59] : memref<2x320000xi32, #tpu.memory_space<hbm>> -> memref<2x4864xi32, #tpu.memory_space<hbm>>
      tpu.wait_dma2 semaphore(%run_scoped3A : memref<!tpu.dma_semaphore, #tpu.memory_space<semaphore_mem>>) src(%dma_wait3A_107 : memref<2x4864xi32, #tpu.memory_space<hbm>>) dst(%dma_wait3A_105 : memref<2x4864xi32, #tpu.memory_space<vmem>>)
      tpu.yield
    }) : () -> ()
    %scan3A_60 = arith.constant 0 : i32
    %scan3A_61 = arith.constant 38 : i32
    %scan3A_62 = arith.addi %scan3A_60, %scan3A_61 : i32
    %scan3A_63 = arith.constant 1 : i32
    scf.for %scan3A_89 = %scan3A_60 to %scan3A_62 step %scan3A_63  : i32 {
      %mul3A_90 = arith.constant 128 : i32
      %mul3A_91 = arith.muli %scan3A_89, %mul3A_90 : i32
      %add3A_92 = arith.constant 0 : i32
      %add3A_93 = arith.addi %mul3A_91, %add3A_92 : i32
      %get3A = arith.constant 1 : i32
      %get3A_94 = arith.index_cast %get3A : i32 to index
      %get3A_95 = arith.index_cast %add3A_93 : i32 to index
      %get3A_96 = tpu.vector_load %arg5[%get3A_94, %get3A_95] {strides = array<i32>} : memref<2x5120xi32, #tpu.memory_space<vmem>>, vector<1x16xi32>,
      %get3A_97 = vector.shape_cast %get3A_96 : vector<1x16xi32> to vector<16xi32>
      %swap3A = arith.index_cast %scan3A_89 : i32 to index
      %swap3A_98 = arith.constant 0 : index
      %swap3A_99 = tpu.vector_load %arg6[%swap3A, %swap3A_98] {strides = array<i32>} : memref<40x128xi32, #tpu.memory_space<vmem>>, vector<1x16xi32>,
      %swap3A_100 = vector.shape_cast %swap3A_99 : vector<1x16xi32> to vector<16xi32>
      %swap3A_101 = vector.shape_cast %get3A_97 : vector<16xi32> to vector<1x16xi32>
      tpu.vector_store %arg6[%swap3A, %swap3A_98], %swap3A_101 {strides = array<i32>} : memref<40x128xi32, #tpu.memory_space<vmem>>, vector<1x16xi32>,
      %mul3A_102 = arith.constant 128 : i32
      %mul3A_103 = arith.muli %scan3A_89, %mul3A_102 : i32
      %add3A_104 = arith.constant 16 : i32
      %add3A_105 = arith.addi %mul3A_103, %add3A_104 : i32
      %get3A_106 = arith.constant 1 : i32
      %get3A_107 = arith.index_cast %get3A_106 : i32 to index
      %get3A_108 = arith.index_cast %add3A_105 : i32 to index
      %get3A_109 = tpu.vector_load %arg5[%get3A_107, %get3A_108] {strides = array<i32>} : memref<2x5120xi32, #tpu.memory_space<vmem>>, vector<1x16xi32>,
      %get3A_110 = vector.shape_cast %get3A_109 : vector<1x16xi32> to vector<16xi32>
      %swap3A_111 = arith.index_cast %scan3A_89 : i32 to index
      %swap3A_112 = arith.constant 16 : index
      %swap3A_113 = tpu.vector_load %arg6[%swap3A_111, %swap3A_112] {strides = array<i32>} : memref<40x128xi32, #tpu.memory_space<vmem>>, vector<1x16xi32>,
      %swap3A_114 = vector.shape_cast %swap3A_113 : vector<1x16xi32> to vector<16xi32>
      %swap3A_115 = vector.shape_cast %get3A_110 : vector<16xi32> to vector<1x16xi32>
      tpu.vector_store %arg6[%swap3A_111, %swap3A_112], %swap3A_115 {strides = array<i32>} : memref<40x128xi32, #tpu.memory_space<vmem>>, vector<1x16xi32>,
      %mul3A_116 = arith.constant 128 : i32
      %mul3A_117 = arith.muli %scan3A_89, %mul3A_116 : i32
      %add3A_118 = arith.constant 32 : i32
      %add3A_119 = arith.addi %mul3A_117, %add3A_118 : i32
      %get3A_120 = arith.constant 1 : i32
      %get3A_121 = arith.index_cast %get3A_120 : i32 to index
      %get3A_122 = arith.index_cast %add3A_119 : i32 to index
      %get3A_123 = tpu.vector_load %arg5[%get3A_121, %get3A_122] {strides = array<i32>} : memref<2x5120xi32, #tpu.memory_space<vmem>>, vector<1x16xi32>,
      %get3A_124 = vector.shape_cast %get3A_123 : vector<1x16xi32> to vector<16xi32>
      %swap3A_125 = arith.index_cast %scan3A_89 : i32 to index
      %swap3A_126 = arith.constant 32 : index
      %swap3A_127 = tpu.vector_load %arg6[%swap3A_125, %swap3A_126] {strides = array<i32>} : memref<40x128xi32, #tpu.memory_space<vmem>>, vector<1x16xi32>,
      %swap3A_128 = vector.shape_cast %swap3A_127 : vector<1x16xi32> to vector<16xi32>
      %swap3A_129 = vector.shape_cast %get3A_124 : vector<16xi32> to vector<1x16xi32>
      tpu.vector_store %arg6[%swap3A_125, %swap3A_126], %swap3A_129 {strides = array<i32>} : memref<40x128xi32, #tpu.memory_space<vmem>>, vector<1x16xi32>,
      %mul3A_130 = arith.constant 128 : i32
      %mul3A_131 = arith.muli %scan3A_89, %mul3A_130 : i32
      %add3A_132 = arith.constant 48 : i32
      %add3A_133 = arith.addi %mul3A_131, %add3A_132 : i32
      %get3A_134 = arith.constant 1 : i32
      %get3A_135 = arith.index_cast %get3A_134 : i32 to index
      %get3A_136 = arith.index_cast %add3A_133 : i32 to index
      %get3A_137 = tpu.vector_load %arg5[%get3A_135, %get3A_136] {strides = array<i32>} : memref<2x5120xi32, #tpu.memory_space<vmem>>, vector<1x16xi32>,
      %get3A_138 = vector.shape_cast %get3A_137 : vector<1x16xi32> to vector<16xi32>
      %swap3A_139 = arith.index_cast %scan3A_89 : i32 to index
      %swap3A_140 = arith.constant 48 : index
      %swap3A_141 = tpu.vector_load %arg6[%swap3A_139, %swap3A_140] {strides = array<i32>} : memref<40x128xi32, #tpu.memory_space<vmem>>, vector<1x16xi32>,
      %swap3A_142 = vector.shape_cast %swap3A_141 : vector<1x16xi32> to vector<16xi32>
      %swap3A_143 = vector.shape_cast %get3A_138 : vector<16xi32> to vector<1x16xi32>
      tpu.vector_store %arg6[%swap3A_139, %swap3A_140], %swap3A_143 {strides = array<i32>} : memref<40x128xi32, #tpu.memory_space<vmem>>, vector<1x16xi32>,
      %mul3A_144 = arith.constant 128 : i32
      %mul3A_145 = arith.muli %scan3A_89, %mul3A_144 : i32
      %add3A_146 = arith.constant 64 : i32
      %add3A_147 = arith.addi %mul3A_145, %add3A_146 : i32
      %get3A_148 = arith.constant 1 : i32
      %get3A_149 = arith.index_cast %get3A_148 : i32 to index
      %get3A_150 = arith.index_cast %add3A_147 : i32 to index
      %get3A_151 = tpu.vector_load %arg5[%get3A_149, %get3A_150] {strides = array<i32>} : memref<2x5120xi32, #tpu.memory_space<vmem>>, vector<1x16xi32>,
      %get3A_152 = vector.shape_cast %get3A_151 : vector<1x16xi32> to vector<16xi32>
      %swap3A_153 = arith.index_cast %scan3A_89 : i32 to index
      %swap3A_154 = arith.constant 64 : index
      %swap3A_155 = tpu.vector_load %arg6[%swap3A_153, %swap3A_154] {strides = array<i32>} : memref<40x128xi32, #tpu.memory_space<vmem>>, vector<1x16xi32>,
      %swap3A_156 = vector.shape_cast %swap3A_155 : vector<1x16xi32> to vector<16xi32>
      %swap3A_157 = vector.shape_cast %get3A_152 : vector<16xi32> to vector<1x16xi32>
      tpu.vector_store %arg6[%swap3A_153, %swap3A_154], %swap3A_157 {strides = array<i32>} : memref<40x128xi32, #tpu.memory_space<vmem>>, vector<1x16xi32>,
      %mul3A_158 = arith.constant 128 : i32
      %mul3A_159 = arith.muli %scan3A_89, %mul3A_158 : i32
      %add3A_160 = arith.constant 80 : i32
      %add3A_161 = arith.addi %mul3A_159, %add3A_160 : i32
      %get3A_162 = arith.constant 1 : i32
      %get3A_163 = arith.index_cast %get3A_162 : i32 to index
      %get3A_164 = arith.index_cast %add3A_161 : i32 to index
      %get3A_165 = tpu.vector_load %arg5[%get3A_163, %get3A_164] {strides = array<i32>} : memref<2x5120xi32, #tpu.memory_space<vmem>>, vector<1x16xi32>,
      %get3A_166 = vector.shape_cast %get3A_165 : vector<1x16xi32> to vector<16xi32>
      %swap3A_167 = arith.index_cast %scan3A_89 : i32 to index
      %swap3A_168 = arith.constant 80 : index
      %swap3A_169 = tpu.vector_load %arg6[%swap3A_167, %swap3A_168] {strides = array<i32>} : memref<40x128xi32, #tpu.memory_space<vmem>>, vector<1x16xi32>,
      %swap3A_170 = vector.shape_cast %swap3A_169 : vector<1x16xi32> to vector<16xi32>
      %swap3A_171 = vector.shape_cast %get3A_166 : vector<16xi32> to vector<1x16xi32>
      tpu.vector_store %arg6[%swap3A_167, %swap3A_168], %swap3A_171 {strides = array<i32>} : memref<40x128xi32, #tpu.memory_space<vmem>>, vector<1x16xi32>,
      %mul3A_172 = arith.constant 128 : i32
      %mul3A_173 = arith.muli %scan3A_89, %mul3A_172 : i32
      %add3A_174 = arith.constant 96 : i32
      %add3A_175 = arith.addi %mul3A_173, %add3A_174 : i32
      %get3A_176 = arith.constant 1 : i32
      %get3A_177 = arith.index_cast %get3A_176 : i32 to index
      %get3A_178 = arith.index_cast %add3A_175 : i32 to index
      %get3A_179 = tpu.vector_load %arg5[%get3A_177, %get3A_178] {strides = array<i32>} : memref<2x5120xi32, #tpu.memory_space<vmem>>, vector<1x16xi32>,
      %get3A_180 = vector.shape_cast %get3A_179 : vector<1x16xi32> to vector<16xi32>
      %swap3A_181 = arith.index_cast %scan3A_89 : i32 to index
      %swap3A_182 = arith.constant 96 : index
      %swap3A_183 = tpu.vector_load %arg6[%swap3A_181, %swap3A_182] {strides = array<i32>} : memref<40x128xi32, #tpu.memory_space<vmem>>, vector<1x16xi32>,
      %swap3A_184 = vector.shape_cast %swap3A_183 : vector<1x16xi32> to vector<16xi32>
      %swap3A_185 = vector.shape_cast %get3A_180 : vector<16xi32> to vector<1x16xi32>
      tpu.vector_store %arg6[%swap3A_181, %swap3A_182], %swap3A_185 {strides = array<i32>} : memref<40x128xi32, #tpu.memory_space<vmem>>, vector<1x16xi32>,
      %mul3A_186 = arith.constant 128 : i32
      %mul3A_187 = arith.muli %scan3A_89, %mul3A_186 : i32
      %add3A_188 = arith.constant 112 : i32
      %add3A_189 = arith.addi %mul3A_187, %add3A_188 : i32
      %get3A_190 = arith.constant 1 : i32
      %get3A_191 = arith.index_cast %get3A_190 : i32 to index
      %get3A_192 = arith.index_cast %add3A_189 : i32 to index
      %get3A_193 = tpu.vector_load %arg5[%get3A_191, %get3A_192] {strides = array<i32>} : memref<2x5120xi32, #tpu.memory_space<vmem>>, vector<1x16xi32>,
      %get3A_194 = vector.shape_cast %get3A_193 : vector<1x16xi32> to vector<16xi32>
      %swap3A_195 = arith.index_cast %scan3A_89 : i32 to index
      %swap3A_196 = arith.constant 112 : index
      %swap3A_197 = tpu.vector_load %arg6[%swap3A_195, %swap3A_196] {strides = array<i32>} : memref<40x128xi32, #tpu.memory_space<vmem>>, vector<1x16xi32>,
      %swap3A_198 = vector.shape_cast %swap3A_197 : vector<1x16xi32> to vector<16xi32>
      %swap3A_199 = vector.shape_cast %get3A_194 : vector<16xi32> to vector<1x16xi32>
      tpu.vector_store %arg6[%swap3A_195, %swap3A_196], %swap3A_199 {strides = array<i32>} : memref<40x128xi32, #tpu.memory_space<vmem>>, vector<1x16xi32>,
    }
    %scan3A_64 = arith.constant 38 : i32
    %dma_start3A_65 = arith.constant 0 : i32
    %dma_start3A_66 = arith.constant 0 : i32
    %dma_start3A_67 = tpu.memref_slice %arg5[%dma_start3A_65, %dma_start3A_66] : memref<2x5120xi32, #tpu.memory_space<vmem>> -> memref<1x128xi32, #tpu.memory_space<vmem>>
    %dma_start3A_68 = tpu.memref_squeeze %dma_start3A_67 : memref<1x128xi32, #tpu.memory_space<vmem>> -> memref<128xi32, #tpu.memory_space<vmem>>
    %dma_start3A_69 = arith.constant 0 : i32
    %dma_start3A_70 = arith.constant 0 : i32
    %dma_start3A_71 = tpu.memref_slice %arg2[%dma_start3A_69, %dma_start3A_70] : memref<10240x128xf32, #tpu.memory_space<hbm>> -> memref<10240x128xf32, #tpu.memory_space<hbm>>
    tpu.enqueue_indirect_dma source(%dma_start3A_71 : memref<10240x128xf32, #tpu.memory_space<hbm>>) target(%arg7 : memref<128x128xf32, #tpu.memory_space<vmem>>) offsets(%dma_start3A_68 : memref<128xi32, #tpu.memory_space<vmem>>) semaphore(%arg10 : memref<!tpu.dma_semaphore, #tpu.memory_space<semaphore_mem>>)
    %dma_start3A_72 = arith.constant 0 : i32
    %dma_start3A_73 = arith.constant 128 : i32
    %dma_start3A_74 = tpu.memref_slice %arg5[%dma_start3A_72, %dma_start3A_73] : memref<2x5120xi32, #tpu.memory_space<vmem>> -> memref<1x128xi32, #tpu.memory_space<vmem>>
    %dma_start3A_75 = tpu.memref_squeeze %dma_start3A_74 : memref<1x128xi32, #tpu.memory_space<vmem>> -> memref<128xi32, #tpu.memory_space<vmem>>
    %dma_start3A_76 = arith.constant 0 : i32
    %dma_start3A_77 = arith.constant 0 : i32
    %dma_start3A_78 = tpu.memref_slice %arg2[%dma_start3A_76, %dma_start3A_77] : memref<10240x128xf32, #tpu.memory_space<hbm>> -> memref<10240x128xf32, #tpu.memory_space<hbm>>
    tpu.enqueue_indirect_dma source(%dma_start3A_78 : memref<10240x128xf32, #tpu.memory_space<hbm>>) target(%arg8 : memref<128x128xf32, #tpu.memory_space<vmem>>) offsets(%dma_start3A_75 : memref<128xi32, #tpu.memory_space<vmem>>) semaphore(%arg11 : memref<!tpu.dma_semaphore, #tpu.memory_space<semaphore_mem>>)
    %scan3A_79 = arith.constant 0 : i32
    %scan3A_80 = arith.constant 19 : i32
    %scan3A_81 = arith.addi %scan3A_79, %scan3A_80 : i32
    %scan3A_82 = arith.constant 1 : i32
    scf.for %scan3A_89 = %scan3A_79 to %scan3A_81 step %scan3A_82  : i32 {
      %mul3A_90 = arith.constant 2 : i32
      %mul3A_91 = arith.muli %mul3A_90, %scan3A_89 : i32
      %add3A_92 = arith.constant 0 : i32
      %add3A_93 = arith.addi %mul3A_91, %add3A_92 : i32
      %mul3A_94 = arith.constant 128 : i32
      %mul3A_95 = arith.muli %add3A_93, %mul3A_94 : i32
      %dma_wait3A = arith.constant 0 : i32
      %dma_wait3A_96 = tpu.memref_slice %arg5[%dma_wait3A, %mul3A_95] : memref<2x5120xi32, #tpu.memory_space<vmem>> -> memref<1x128xi32, #tpu.memory_space<vmem>>
      %dma_wait3A_97 = tpu.memref_squeeze %dma_wait3A_96 : memref<1x128xi32, #tpu.memory_space<vmem>> -> memref<128xi32, #tpu.memory_space<vmem>>
      %dma_wait3A_98 = arith.constant 0 : i32
      %dma_wait3A_99 = arith.constant 0 : i32
      %dma_wait3A_100 = tpu.memref_slice %arg2[%dma_wait3A_98, %dma_wait3A_99] : memref<10240x128xf32, #tpu.memory_space<hbm>> -> memref<10240x128xf32, #tpu.memory_space<hbm>>
      tpu.wait_indirect_dma semaphore(%arg10 : memref<!tpu.dma_semaphore, #tpu.memory_space<semaphore_mem>>) src(%dma_wait3A_100 : memref<10240x128xf32, #tpu.memory_space<hbm>>) dst(%arg7 : memref<128x128xf32, #tpu.memory_space<vmem>>)
      "tpu.region"() ({
        %run_scoped3A = tpu.sem_alloc : memref<!tpu.dma_semaphore, #tpu.memory_space<semaphore_mem>>
        %dma_start3A_126 = arith.constant 0 : i32
        %dma_start3A_127 = tpu.memref_slice %arg6[%add3A_93, %dma_start3A_126] : memref<40x128xi32, #tpu.memory_space<vmem>> -> memref<1x128xi32, #tpu.memory_space<vmem>>
        %dma_start3A_128 = tpu.memref_squeeze %dma_start3A_127 : memref<1x128xi32, #tpu.memory_space<vmem>> -> memref<128xi32, #tpu.memory_space<vmem>>
        %dma_start3A_129 = arith.constant 0 : i32
        %dma_start3A_130 = arith.constant 0 : i32
        %dma_start3A_131 = tpu.memref_slice %arg9[%dma_start3A_129, %dma_start3A_130] : memref<10240x128xf32, #tpu.memory_space<vmem_shared>> -> memref<10240x128xf32, #tpu.memory_space<vmem_shared>>
        tpu.enqueue_indirect_dma source(%arg7 : memref<128x128xf32, #tpu.memory_space<vmem>>) target(%dma_start3A_131 : memref<10240x128xf32, #tpu.memory_space<vmem_shared>>) offsets(%dma_start3A_128 : memref<128xi32, #tpu.memory_space<vmem>>) semaphore(%run_scoped3A : memref<!tpu.dma_semaphore, #tpu.memory_space<semaphore_mem>>) {add = true}
        %dma_wait3A_132 = arith.constant 0 : i32
        %dma_wait3A_133 = tpu.memref_slice %arg6[%add3A_93, %dma_wait3A_132] : memref<40x128xi32, #tpu.memory_space<vmem>> -> memref<1x128xi32, #tpu.memory_space<vmem>>
        %dma_wait3A_134 = tpu.memref_squeeze %dma_wait3A_133 : memref<1x128xi32, #tpu.memory_space<vmem>> -> memref<128xi32, #tpu.memory_space<vmem>>
        %dma_wait3A_135 = arith.constant 0 : i32
        %dma_wait3A_136 = arith.constant 0 : i32
        %dma_wait3A_137 = tpu.memref_slice %arg9[%dma_wait3A_135, %dma_wait3A_136] : memref<10240x128xf32, #tpu.memory_space<vmem_shared>> -> memref<10240x128xf32, #tpu.memory_space<vmem_shared>>
        tpu.wait_indirect_dma semaphore(%run_scoped3A : memref<!tpu.dma_semaphore, #tpu.memory_space<semaphore_mem>>) src(%arg7 : memref<128x128xf32, #tpu.memory_space<vmem>>) dst(%dma_wait3A_137 : memref<10240x128xf32, #tpu.memory_space<vmem_shared>>)
        tpu.yield
      }) : () -> ()
      %add3A_101 = arith.constant 2 : i32
      %add3A_102 = arith.addi %add3A_93, %add3A_101 : i32
      %lt3A = arith.constant 38 : i32
      %lt3A_103 = arith.cmpi slt, %add3A_102, %lt3A : i32
      %convert_element_type3A_104 = arith.extui %lt3A_103 : i1 to i32
      %cond3A_105 = arith.constant 0 : i32
      %cond3A_106 = arith.cmpi ne, %convert_element_type3A_104, %cond3A_105 : i32
      scf.if %cond3A_106 {
        %add3A_126 = arith.constant 2 : i32
        %add3A_127 = arith.addi %add3A_93, %add3A_126 : i32
        %mul3A_128 = arith.constant 128 : i32
        %mul3A_129 = arith.muli %add3A_127, %mul3A_128 : i32
        %dma_start3A_130 = arith.constant 0 : i32
        %dma_start3A_131 = tpu.memref_slice %arg5[%dma_start3A_130, %mul3A_129] : memref<2x5120xi32, #tpu.memory_space<vmem>> -> memref<1x128xi32, #tpu.memory_space<vmem>>
        %dma_start3A_132 = tpu.memref_squeeze %dma_start3A_131 : memref<1x128xi32, #tpu.memory_space<vmem>> -> memref<128xi32, #tpu.memory_space<vmem>>
        %dma_start3A_133 = arith.constant 0 : i32
        %dma_start3A_134 = arith.constant 0 : i32
        %dma_start3A_135 = tpu.memref_slice %arg2[%dma_start3A_133, %dma_start3A_134] : memref<10240x128xf32, #tpu.memory_space<hbm>> -> memref<10240x128xf32, #tpu.memory_space<hbm>>
        tpu.enqueue_indirect_dma source(%dma_start3A_135 : memref<10240x128xf32, #tpu.memory_space<hbm>>) target(%arg7 : memref<128x128xf32, #tpu.memory_space<vmem>>) offsets(%dma_start3A_132 : memref<128xi32, #tpu.memory_space<vmem>>) semaphore(%arg10 : memref<!tpu.dma_semaphore, #tpu.memory_space<semaphore_mem>>)
      } else {
      }
      %mul3A_107 = arith.constant 2 : i32
      %mul3A_108 = arith.muli %mul3A_107, %scan3A_89 : i32
      %add3A_109 = arith.constant 1 : i32
      %add3A_110 = arith.addi %mul3A_108, %add3A_109 : i32
      %mul3A_111 = arith.constant 128 : i32
      %mul3A_112 = arith.muli %add3A_110, %mul3A_111 : i32
      %dma_wait3A_113 = arith.constant 0 : i32
      %dma_wait3A_114 = tpu.memref_slice %arg5[%dma_wait3A_113, %mul3A_112] : memref<2x5120xi32, #tpu.memory_space<vmem>> -> memref<1x128xi32, #tpu.memory_space<vmem>>
      %dma_wait3A_115 = tpu.memref_squeeze %dma_wait3A_114 : memref<1x128xi32, #tpu.memory_space<vmem>> -> memref<128xi32, #tpu.memory_space<vmem>>
      %dma_wait3A_116 = arith.constant 0 : i32
      %dma_wait3A_117 = arith.constant 0 : i32
      %dma_wait3A_118 = tpu.memref_slice %arg2[%dma_wait3A_116, %dma_wait3A_117] : memref<10240x128xf32, #tpu.memory_space<hbm>> -> memref<10240x128xf32, #tpu.memory_space<hbm>>
      tpu.wait_indirect_dma semaphore(%arg11 : memref<!tpu.dma_semaphore, #tpu.memory_space<semaphore_mem>>) src(%dma_wait3A_118 : memref<10240x128xf32, #tpu.memory_space<hbm>>) dst(%arg8 : memref<128x128xf32, #tpu.memory_space<vmem>>)
      "tpu.region"() ({
        %run_scoped3A = tpu.sem_alloc : memref<!tpu.dma_semaphore, #tpu.memory_space<semaphore_mem>>
        %dma_start3A_126 = arith.constant 0 : i32
        %dma_start3A_127 = tpu.memref_slice %arg6[%add3A_110, %dma_start3A_126] : memref<40x128xi32, #tpu.memory_space<vmem>> -> memref<1x128xi32, #tpu.memory_space<vmem>>
        %dma_start3A_128 = tpu.memref_squeeze %dma_start3A_127 : memref<1x128xi32, #tpu.memory_space<vmem>> -> memref<128xi32, #tpu.memory_space<vmem>>
        %dma_start3A_129 = arith.constant 0 : i32
        %dma_start3A_130 = arith.constant 0 : i32
        %dma_start3A_131 = tpu.memref_slice %arg9[%dma_start3A_129, %dma_start3A_130] : memref<10240x128xf32, #tpu.memory_space<vmem_shared>> -> memref<10240x128xf32, #tpu.memory_space<vmem_shared>>
        tpu.enqueue_indirect_dma source(%arg8 : memref<128x128xf32, #tpu.memory_space<vmem>>) target(%dma_start3A_131 : memref<10240x128xf32, #tpu.memory_space<vmem_shared>>) offsets(%dma_start3A_128 : memref<128xi32, #tpu.memory_space<vmem>>) semaphore(%run_scoped3A : memref<!tpu.dma_semaphore, #tpu.memory_space<semaphore_mem>>) {add = true}
        %dma_wait3A_132 = arith.constant 0 : i32
        %dma_wait3A_133 = tpu.memref_slice %arg6[%add3A_110, %dma_wait3A_132] : memref<40x128xi32, #tpu.memory_space<vmem>> -> memref<1x128xi32, #tpu.memory_space<vmem>>
        %dma_wait3A_134 = tpu.memref_squeeze %dma_wait3A_133 : memref<1x128xi32, #tpu.memory_space<vmem>> -> memref<128xi32, #tpu.memory_space<vmem>>
        %dma_wait3A_135 = arith.constant 0 : i32
        %dma_wait3A_136 = arith.constant 0 : i32
        %dma_wait3A_137 = tpu.memref_slice %arg9[%dma_wait3A_135, %dma_wait3A_136] : memref<10240x128xf32, #tpu.memory_space<vmem_shared>> -> memref<10240x128xf32, #tpu.memory_space<vmem_shared>>
        tpu.wait_indirect_dma semaphore(%run_scoped3A : memref<!tpu.dma_semaphore, #tpu.memory_space<semaphore_mem>>) src(%arg8 : memref<128x128xf32, #tpu.memory_space<vmem>>) dst(%dma_wait3A_137 : memref<10240x128xf32, #tpu.memory_space<vmem_shared>>)
        tpu.yield
      }) : () -> ()
      %add3A_119 = arith.constant 2 : i32
      %add3A_120 = arith.addi %add3A_110, %add3A_119 : i32
      %lt3A_121 = arith.constant 38 : i32
      %lt3A_122 = arith.cmpi slt, %add3A_120, %lt3A_121 : i32
      %convert_element_type3A_123 = arith.extui %lt3A_122 : i1 to i32
      %cond3A_124 = arith.constant 0 : i32
      %cond3A_125 = arith.cmpi ne, %convert_element_type3A_123, %cond3A_124 : i32
      scf.if %cond3A_125 {
        %add3A_126 = arith.constant 2 : i32
        %add3A_127 = arith.addi %add3A_110, %add3A_126 : i32
        %mul3A_128 = arith.constant 128 : i32
        %mul3A_129 = arith.muli %add3A_127, %mul3A_128 : i32
        %dma_start3A_130 = arith.constant 0 : i32
        %dma_start3A_131 = tpu.memref_slice %arg5[%dma_start3A_130, %mul3A_129] : memref<2x5120xi32, #tpu.memory_space<vmem>> -> memref<1x128xi32, #tpu.memory_space<vmem>>
        %dma_start3A_132 = tpu.memref_squeeze %dma_start3A_131 : memref<1x128xi32, #tpu.memory_space<vmem>> -> memref<128xi32, #tpu.memory_space<vmem>>
        %dma_start3A_133 = arith.constant 0 : i32
        %dma_start3A_134 = arith.constant 0 : i32
        %dma_start3A_135 = tpu.memref_slice %arg2[%dma_start3A_133, %dma_start3A_134] : memref<10240x128xf32, #tpu.memory_space<hbm>> -> memref<10240x128xf32, #tpu.memory_space<hbm>>
        tpu.enqueue_indirect_dma source(%dma_start3A_135 : memref<10240x128xf32, #tpu.memory_space<hbm>>) target(%arg8 : memref<128x128xf32, #tpu.memory_space<vmem>>) offsets(%dma_start3A_132 : memref<128xi32, #tpu.memory_space<vmem>>) semaphore(%arg11 : memref<!tpu.dma_semaphore, #tpu.memory_space<semaphore_mem>>)
      } else {
      }
    }
    %scan3A_83 = arith.constant 19 : i32
    %eq3A = arith.constant 0 : i32
    %eq3A_84 = arith.cmpi eq, %arg1, %eq3A : i32
    %convert_element_type3A = arith.extui %eq3A_84 : i1 to i32
    %cond3A = arith.constant 0 : i32
    %cond3A_85 = arith.cmpi ne, %convert_element_type3A, %cond3A : i32
    scf.if %cond3A_85 {
      %mul3A_89 = arith.constant 2 : i32
      %mul3A_90 = arith.muli %mul3A_89, %arg0 : i32
      %add3A_91 = arith.constant 2496 : i32
      %add3A_92 = arith.addi %add3A_91, %mul3A_90 : i32
      %mul3A_93 = arith.constant 128 : i32
      %mul3A_94 = arith.muli %add3A_92, %mul3A_93 : i32
      "tpu.region"() ({
        %run_scoped3A_103 = tpu.sem_alloc : memref<!tpu.dma_semaphore, #tpu.memory_space<semaphore_mem>>
        %dma_start3A_104 = arith.constant 0 : i32
        %dma_start3A_105 = arith.constant 0 : i32
        %dma_start3A_106 = tpu.memref_slice %arg5[%dma_start3A_104, %dma_start3A_105] : memref<2x5120xi32, #tpu.memory_space<vmem>> -> memref<2x256xi32, #tpu.memory_space<vmem>>
        %dma_start3A_107 = arith.constant 0 : i32
        %dma_start3A_108 = tpu.memref_slice %arg3[%dma_start3A_107, %mul3A_94] : memref<2x320000xi32, #tpu.memory_space<hbm>> -> memref<2x256xi32, #tpu.memory_space<hbm>>
        %dma_start3A_109 = arith.constant 0 : i32
        %dma_start3A_110 = arith.constant 0 : i32
        %dma_start3A_111 = tpu.memref_slice %arg5[%dma_start3A_109, %dma_start3A_110] : memref<2x5120xi32, #tpu.memory_space<vmem>> -> memref<2x256xi32, #tpu.memory_space<vmem>>
        %dma_start3A_112 = arith.constant 0 : i32
        %dma_start3A_113 = tpu.memref_slice %arg3[%dma_start3A_112, %mul3A_94] : memref<2x320000xi32, #tpu.memory_space<hbm>> -> memref<2x256xi32, #tpu.memory_space<hbm>>
        tpu.enqueue_dma source(%dma_start3A_113 : memref<2x256xi32, #tpu.memory_space<hbm>>) target(%dma_start3A_111 : memref<2x256xi32, #tpu.memory_space<vmem>>) target_semaphore(%run_scoped3A_103 : memref<!tpu.dma_semaphore, #tpu.memory_space<semaphore_mem>>)
        %dma_wait3A = arith.constant 0 : i32
        %dma_wait3A_114 = arith.constant 0 : i32
        %dma_wait3A_115 = tpu.memref_slice %arg5[%dma_wait3A, %dma_wait3A_114] : memref<2x5120xi32, #tpu.memory_space<vmem>> -> memref<2x256xi32, #tpu.memory_space<vmem>>
        %dma_wait3A_116 = arith.constant 0 : i32
        %dma_wait3A_117 = tpu.memref_slice %arg3[%dma_wait3A_116, %mul3A_94] : memref<2x320000xi32, #tpu.memory_space<hbm>> -> memref<2x256xi32, #tpu.memory_space<hbm>>
        %dma_wait3A_118 = arith.constant 0 : i32
        %dma_wait3A_119 = arith.constant 0 : i32
        %dma_wait3A_120 = tpu.memref_slice %arg5[%dma_wait3A_118, %dma_wait3A_119] : memref<2x5120xi32, #tpu.memory_space<vmem>> -> memref<2x256xi32, #tpu.memory_space<vmem>>
        %dma_wait3A_121 = arith.constant 0 : i32
        %dma_wait3A_122 = tpu.memref_slice %arg3[%dma_wait3A_121, %mul3A_94] : memref<2x320000xi32, #tpu.memory_space<hbm>> -> memref<2x256xi32, #tpu.memory_space<hbm>>
        tpu.wait_dma2 semaphore(%run_scoped3A_103 : memref<!tpu.dma_semaphore, #tpu.memory_space<semaphore_mem>>) src(%dma_wait3A_122 : memref<2x256xi32, #tpu.memory_space<hbm>>) dst(%dma_wait3A_120 : memref<2x256xi32, #tpu.memory_space<vmem>>)
        tpu.yield
      }) : () -> ()
      %scan3A_95 = arith.constant 0 : i32
      %scan3A_96 = arith.constant 2 : i32
      %scan3A_97 = arith.addi %scan3A_95, %scan3A_96 : i32
      %scan3A_98 = arith.constant 1 : i32
      scf.for %scan3A_103 = %scan3A_95 to %scan3A_97 step %scan3A_98  : i32 {
        %mul3A_104 = arith.constant 128 : i32
        %mul3A_105 = arith.muli %scan3A_103, %mul3A_104 : i32
        %add3A_106 = arith.constant 0 : i32
        %add3A_107 = arith.addi %mul3A_105, %add3A_106 : i32
        %get3A = arith.constant 1 : i32
        %get3A_108 = arith.index_cast %get3A : i32 to index
        %get3A_109 = arith.index_cast %add3A_107 : i32 to index
        %get3A_110 = tpu.vector_load %arg5[%get3A_108, %get3A_109] {strides = array<i32>} : memref<2x5120xi32, #tpu.memory_space<vmem>>, vector<1x16xi32>,
        %get3A_111 = vector.shape_cast %get3A_110 : vector<1x16xi32> to vector<16xi32>
        %swap3A = arith.index_cast %scan3A_103 : i32 to index
        %swap3A_112 = arith.constant 0 : index
        %swap3A_113 = tpu.vector_load %arg6[%swap3A, %swap3A_112] {strides = array<i32>} : memref<40x128xi32, #tpu.memory_space<vmem>>, vector<1x16xi32>,
        %swap3A_114 = vector.shape_cast %swap3A_113 : vector<1x16xi32> to vector<16xi32>
        %swap3A_115 = vector.shape_cast %get3A_111 : vector<16xi32> to vector<1x16xi32>
        tpu.vector_store %arg6[%swap3A, %swap3A_112], %swap3A_115 {strides = array<i32>} : memref<40x128xi32, #tpu.memory_space<vmem>>, vector<1x16xi32>,
        %mul3A_116 = arith.constant 128 : i32
        %mul3A_117 = arith.muli %scan3A_103, %mul3A_116 : i32
        %add3A_118 = arith.constant 16 : i32
        %add3A_119 = arith.addi %mul3A_117, %add3A_118 : i32
        %get3A_120 = arith.constant 1 : i32
        %get3A_121 = arith.index_cast %get3A_120 : i32 to index
        %get3A_122 = arith.index_cast %add3A_119 : i32 to index
        %get3A_123 = tpu.vector_load %arg5[%get3A_121, %get3A_122] {strides = array<i32>} : memref<2x5120xi32, #tpu.memory_space<vmem>>, vector<1x16xi32>,
        %get3A_124 = vector.shape_cast %get3A_123 : vector<1x16xi32> to vector<16xi32>
        %swap3A_125 = arith.index_cast %scan3A_103 : i32 to index
        %swap3A_126 = arith.constant 16 : index
        %swap3A_127 = tpu.vector_load %arg6[%swap3A_125, %swap3A_126] {strides = array<i32>} : memref<40x128xi32, #tpu.memory_space<vmem>>, vector<1x16xi32>,
        %swap3A_128 = vector.shape_cast %swap3A_127 : vector<1x16xi32> to vector<16xi32>
        %swap3A_129 = vector.shape_cast %get3A_124 : vector<16xi32> to vector<1x16xi32>
        tpu.vector_store %arg6[%swap3A_125, %swap3A_126], %swap3A_129 {strides = array<i32>} : memref<40x128xi32, #tpu.memory_space<vmem>>, vector<1x16xi32>,
        %mul3A_130 = arith.constant 128 : i32
        %mul3A_131 = arith.muli %scan3A_103, %mul3A_130 : i32
        %add3A_132 = arith.constant 32 : i32
        %add3A_133 = arith.addi %mul3A_131, %add3A_132 : i32
        %get3A_134 = arith.constant 1 : i32
        %get3A_135 = arith.index_cast %get3A_134 : i32 to index
        %get3A_136 = arith.index_cast %add3A_133 : i32 to index
        %get3A_137 = tpu.vector_load %arg5[%get3A_135, %get3A_136] {strides = array<i32>} : memref<2x5120xi32, #tpu.memory_space<vmem>>, vector<1x16xi32>,
        %get3A_138 = vector.shape_cast %get3A_137 : vector<1x16xi32> to vector<16xi32>
        %swap3A_139 = arith.index_cast %scan3A_103 : i32 to index
        %swap3A_140 = arith.constant 32 : index
        %swap3A_141 = tpu.vector_load %arg6[%swap3A_139, %swap3A_140] {strides = array<i32>} : memref<40x128xi32, #tpu.memory_space<vmem>>, vector<1x16xi32>,
        %swap3A_142 = vector.shape_cast %swap3A_141 : vector<1x16xi32> to vector<16xi32>
        %swap3A_143 = vector.shape_cast %get3A_138 : vector<16xi32> to vector<1x16xi32>
        tpu.vector_store %arg6[%swap3A_139, %swap3A_140], %swap3A_143 {strides = array<i32>} : memref<40x128xi32, #tpu.memory_space<vmem>>, vector<1x16xi32>,
        %mul3A_144 = arith.constant 128 : i32
        %mul3A_145 = arith.muli %scan3A_103, %mul3A_144 : i32
        %add3A_146 = arith.constant 48 : i32
        %add3A_147 = arith.addi %mul3A_145, %add3A_146 : i32
        %get3A_148 = arith.constant 1 : i32
        %get3A_149 = arith.index_cast %get3A_148 : i32 to index
        %get3A_150 = arith.index_cast %add3A_147 : i32 to index
        %get3A_151 = tpu.vector_load %arg5[%get3A_149, %get3A_150] {strides = array<i32>} : memref<2x5120xi32, #tpu.memory_space<vmem>>, vector<1x16xi32>,
        %get3A_152 = vector.shape_cast %get3A_151 : vector<1x16xi32> to vector<16xi32>
        %swap3A_153 = arith.index_cast %scan3A_103 : i32 to index
        %swap3A_154 = arith.constant 48 : index
        %swap3A_155 = tpu.vector_load %arg6[%swap3A_153, %swap3A_154] {strides = array<i32>} : memref<40x128xi32, #tpu.memory_space<vmem>>, vector<1x16xi32>,
        %swap3A_156 = vector.shape_cast %swap3A_155 : vector<1x16xi32> to vector<16xi32>
        %swap3A_157 = vector.shape_cast %get3A_152 : vector<16xi32> to vector<1x16xi32>
        tpu.vector_store %arg6[%swap3A_153, %swap3A_154], %swap3A_157 {strides = array<i32>} : memref<40x128xi32, #tpu.memory_space<vmem>>, vector<1x16xi32>,
        %mul3A_158 = arith.constant 128 : i32
        %mul3A_159 = arith.muli %scan3A_103, %mul3A_158 : i32
        %add3A_160 = arith.constant 64 : i32
        %add3A_161 = arith.addi %mul3A_159, %add3A_160 : i32
        %get3A_162 = arith.constant 1 : i32
        %get3A_163 = arith.index_cast %get3A_162 : i32 to index
        %get3A_164 = arith.index_cast %add3A_161 : i32 to index
        %get3A_165 = tpu.vector_load %arg5[%get3A_163, %get3A_164] {strides = array<i32>} : memref<2x5120xi32, #tpu.memory_space<vmem>>, vector<1x16xi32>,
        %get3A_166 = vector.shape_cast %get3A_165 : vector<1x16xi32> to vector<16xi32>
        %swap3A_167 = arith.index_cast %scan3A_103 : i32 to index
        %swap3A_168 = arith.constant 64 : index
        %swap3A_169 = tpu.vector_load %arg6[%swap3A_167, %swap3A_168] {strides = array<i32>} : memref<40x128xi32, #tpu.memory_space<vmem>>, vector<1x16xi32>,
        %swap3A_170 = vector.shape_cast %swap3A_169 : vector<1x16xi32> to vector<16xi32>
        %swap3A_171 = vector.shape_cast %get3A_166 : vector<16xi32> to vector<1x16xi32>
        tpu.vector_store %arg6[%swap3A_167, %swap3A_168], %swap3A_171 {strides = array<i32>} : memref<40x128xi32, #tpu.memory_space<vmem>>, vector<1x16xi32>,
        %mul3A_172 = arith.constant 128 : i32
        %mul3A_173 = arith.muli %scan3A_103, %mul3A_172 : i32
        %add3A_174 = arith.constant 80 : i32
        %add3A_175 = arith.addi %mul3A_173, %add3A_174 : i32
        %get3A_176 = arith.constant 1 : i32
        %get3A_177 = arith.index_cast %get3A_176 : i32 to index
        %get3A_178 = arith.index_cast %add3A_175 : i32 to index
        %get3A_179 = tpu.vector_load %arg5[%get3A_177, %get3A_178] {strides = array<i32>} : memref<2x5120xi32, #tpu.memory_space<vmem>>, vector<1x16xi32>,
        %get3A_180 = vector.shape_cast %get3A_179 : vector<1x16xi32> to vector<16xi32>
        %swap3A_181 = arith.index_cast %scan3A_103 : i32 to index
        %swap3A_182 = arith.constant 80 : index
        %swap3A_183 = tpu.vector_load %arg6[%swap3A_181, %swap3A_182] {strides = array<i32>} : memref<40x128xi32, #tpu.memory_space<vmem>>, vector<1x16xi32>,
        %swap3A_184 = vector.shape_cast %swap3A_183 : vector<1x16xi32> to vector<16xi32>
        %swap3A_185 = vector.shape_cast %get3A_180 : vector<16xi32> to vector<1x16xi32>
        tpu.vector_store %arg6[%swap3A_181, %swap3A_182], %swap3A_185 {strides = array<i32>} : memref<40x128xi32, #tpu.memory_space<vmem>>, vector<1x16xi32>,
        %mul3A_186 = arith.constant 128 : i32
        %mul3A_187 = arith.muli %scan3A_103, %mul3A_186 : i32
        %add3A_188 = arith.constant 96 : i32
        %add3A_189 = arith.addi %mul3A_187, %add3A_188 : i32
        %get3A_190 = arith.constant 1 : i32
        %get3A_191 = arith.index_cast %get3A_190 : i32 to index
        %get3A_192 = arith.index_cast %add3A_189 : i32 to index
        %get3A_193 = tpu.vector_load %arg5[%get3A_191, %get3A_192] {strides = array<i32>} : memref<2x5120xi32, #tpu.memory_space<vmem>>, vector<1x16xi32>,
        %get3A_194 = vector.shape_cast %get3A_193 : vector<1x16xi32> to vector<16xi32>
        %swap3A_195 = arith.index_cast %scan3A_103 : i32 to index
        %swap3A_196 = arith.constant 96 : index
        %swap3A_197 = tpu.vector_load %arg6[%swap3A_195, %swap3A_196] {strides = array<i32>} : memref<40x128xi32, #tpu.memory_space<vmem>>, vector<1x16xi32>,
        %swap3A_198 = vector.shape_cast %swap3A_197 : vector<1x16xi32> to vector<16xi32>
        %swap3A_199 = vector.shape_cast %get3A_194 : vector<16xi32> to vector<1x16xi32>
        tpu.vector_store %arg6[%swap3A_195, %swap3A_196], %swap3A_199 {strides = array<i32>} : memref<40x128xi32, #tpu.memory_space<vmem>>, vector<1x16xi32>,
        %mul3A_200 = arith.constant 128 : i32
        %mul3A_201 = arith.muli %scan3A_103, %mul3A_200 : i32
        %add3A_202 = arith.constant 112 : i32
        %add3A_203 = arith.addi %mul3A_201, %add3A_202 : i32
        %get3A_204 = arith.constant 1 : i32
        %get3A_205 = arith.index_cast %get3A_204 : i32 to index
        %get3A_206 = arith.index_cast %add3A_203 : i32 to index
        %get3A_207 = tpu.vector_load %arg5[%get3A_205, %get3A_206] {strides = array<i32>} : memref<2x5120xi32, #tpu.memory_space<vmem>>, vector<1x16xi32>,
        %get3A_208 = vector.shape_cast %get3A_207 : vector<1x16xi32> to vector<16xi32>
        %swap3A_209 = arith.index_cast %scan3A_103 : i32 to index
        %swap3A_210 = arith.constant 112 : index
        %swap3A_211 = tpu.vector_load %arg6[%swap3A_209, %swap3A_210] {strides = array<i32>} : memref<40x128xi32, #tpu.memory_space<vmem>>, vector<1x16xi32>,
        %swap3A_212 = vector.shape_cast %swap3A_211 : vector<1x16xi32> to vector<16xi32>
        %swap3A_213 = vector.shape_cast %get3A_208 : vector<16xi32> to vector<1x16xi32>
        tpu.vector_store %arg6[%swap3A_209, %swap3A_210], %swap3A_213 {strides = array<i32>} : memref<40x128xi32, #tpu.memory_space<vmem>>, vector<1x16xi32>,
      }
      %scan3A_99 = arith.constant 2 : i32
      %run_scoped3A = arith.constant 0 : i32
      "tpu.region"() ({
        %run_scoped3A_103 = tpu.sem_alloc : memref<!tpu.dma_semaphore, #tpu.memory_space<semaphore_mem>>
        %dma_start3A_104 = arith.constant 0 : i32
        %dma_start3A_105 = tpu.memref_slice %arg5[%run_scoped3A, %dma_start3A_104] : memref<2x5120xi32, #tpu.memory_space<vmem>> -> memref<1x128xi32, #tpu.memory_space<vmem>>
        %dma_start3A_106 = tpu.memref_squeeze %dma_start3A_105 : memref<1x128xi32, #tpu.memory_space<vmem>> -> memref<128xi32, #tpu.memory_space<vmem>>
        %dma_start3A_107 = arith.constant 0 : i32
        %dma_start3A_108 = arith.constant 0 : i32
        %dma_start3A_109 = tpu.memref_slice %arg2[%dma_start3A_107, %dma_start3A_108] : memref<10240x128xf32, #tpu.memory_space<hbm>> -> memref<10240x128xf32, #tpu.memory_space<hbm>>
        tpu.enqueue_indirect_dma source(%dma_start3A_109 : memref<10240x128xf32, #tpu.memory_space<hbm>>) target(%arg7 : memref<128x128xf32, #tpu.memory_space<vmem>>) offsets(%dma_start3A_106 : memref<128xi32, #tpu.memory_space<vmem>>) semaphore(%run_scoped3A_103 : memref<!tpu.dma_semaphore, #tpu.memory_space<semaphore_mem>>)
        %dma_wait3A = arith.constant 0 : i32
        %dma_wait3A_110 = tpu.memref_slice %arg5[%run_scoped3A, %dma_wait3A] : memref<2x5120xi32, #tpu.memory_space<vmem>> -> memref<1x128xi32, #tpu.memory_space<vmem>>
        %dma_wait3A_111 = tpu.memref_squeeze %dma_wait3A_110 : memref<1x128xi32, #tpu.memory_space<vmem>> -> memref<128xi32, #tpu.memory_space<vmem>>
        %dma_wait3A_112 = arith.constant 0 : i32
        %dma_wait3A_113 = arith.constant 0 : i32
        %dma_wait3A_114 = tpu.memref_slice %arg2[%dma_wait3A_112, %dma_wait3A_113] : memref<10240x128xf32, #tpu.memory_space<hbm>> -> memref<10240x128xf32, #tpu.memory_space<hbm>>
        tpu.wait_indirect_dma semaphore(%run_scoped3A_103 : memref<!tpu.dma_semaphore, #tpu.memory_space<semaphore_mem>>) src(%dma_wait3A_114 : memref<10240x128xf32, #tpu.memory_space<hbm>>) dst(%arg7 : memref<128x128xf32, #tpu.memory_space<vmem>>)
        tpu.yield
      }) : () -> ()
      %run_scoped3A_100 = arith.constant 0 : i32
      "tpu.region"() ({
        %run_scoped3A_103 = tpu.sem_alloc : memref<!tpu.dma_semaphore, #tpu.memory_space<semaphore_mem>>
        %dma_start3A_104 = arith.constant 0 : i32
        %dma_start3A_105 = tpu.memref_slice %arg6[%run_scoped3A_100, %dma_start3A_104] : memref<40x128xi32, #tpu.memory_space<vmem>> -> memref<1x128xi32, #tpu.memory_space<vmem>>
        %dma_start3A_106 = tpu.memref_squeeze %dma_start3A_105 : memref<1x128xi32, #tpu.memory_space<vmem>> -> memref<128xi32, #tpu.memory_space<vmem>>
        %dma_start3A_107 = arith.constant 0 : i32
        %dma_start3A_108 = arith.constant 0 : i32
        %dma_start3A_109 = tpu.memref_slice %arg9[%dma_start3A_107, %dma_start3A_108] : memref<10240x128xf32, #tpu.memory_space<vmem_shared>> -> memref<10240x128xf32, #tpu.memory_space<vmem_shared>>
        tpu.enqueue_indirect_dma source(%arg7 : memref<128x128xf32, #tpu.memory_space<vmem>>) target(%dma_start3A_109 : memref<10240x128xf32, #tpu.memory_space<vmem_shared>>) offsets(%dma_start3A_106 : memref<128xi32, #tpu.memory_space<vmem>>) semaphore(%run_scoped3A_103 : memref<!tpu.dma_semaphore, #tpu.memory_space<semaphore_mem>>) {add = true}
        %dma_wait3A = arith.constant 0 : i32
        %dma_wait3A_110 = tpu.memref_slice %arg6[%run_scoped3A_100, %dma_wait3A] : memref<40x128xi32, #tpu.memory_space<vmem>> -> memref<1x128xi32, #tpu.memory_space<vmem>>
        %dma_wait3A_111 = tpu.memref_squeeze %dma_wait3A_110 : memref<1x128xi32, #tpu.memory_space<vmem>> -> memref<128xi32, #tpu.memory_space<vmem>>
        %dma_wait3A_112 = arith.constant 0 : i32
        %dma_wait3A_113 = arith.constant 0 : i32
        %dma_wait3A_114 = tpu.memref_slice %arg9[%dma_wait3A_112, %dma_wait3A_113] : memref<10240x128xf32, #tpu.memory_space<vmem_shared>> -> memref<10240x128xf32, #tpu.memory_space<vmem_shared>>
        tpu.wait_indirect_dma semaphore(%run_scoped3A_103 : memref<!tpu.dma_semaphore, #tpu.memory_space<semaphore_mem>>) src(%arg7 : memref<128x128xf32, #tpu.memory_space<vmem>>) dst(%dma_wait3A_114 : memref<10240x128xf32, #tpu.memory_space<vmem_shared>>)
        tpu.yield
      }) : () -> ()
      %run_scoped3A_101 = arith.constant 0 : i32
      "tpu.region"() ({
        %run_scoped3A_103 = tpu.sem_alloc : memref<!tpu.dma_semaphore, #tpu.memory_space<semaphore_mem>>
        %dma_start3A_104 = arith.constant 128 : i32
        %dma_start3A_105 = tpu.memref_slice %arg5[%run_scoped3A_101, %dma_start3A_104] : memref<2x5120xi32, #tpu.memory_space<vmem>> -> memref<1x128xi32, #tpu.memory_space<vmem>>
        %dma_start3A_106 = tpu.memref_squeeze %dma_start3A_105 : memref<1x128xi32, #tpu.memory_space<vmem>> -> memref<128xi32, #tpu.memory_space<vmem>>
        %dma_start3A_107 = arith.constant 0 : i32
        %dma_start3A_108 = arith.constant 0 : i32
        %dma_start3A_109 = tpu.memref_slice %arg2[%dma_start3A_107, %dma_start3A_108] : memref<10240x128xf32, #tpu.memory_space<hbm>> -> memref<10240x128xf32, #tpu.memory_space<hbm>>
        tpu.enqueue_indirect_dma source(%dma_start3A_109 : memref<10240x128xf32, #tpu.memory_space<hbm>>) target(%arg7 : memref<128x128xf32, #tpu.memory_space<vmem>>) offsets(%dma_start3A_106 : memref<128xi32, #tpu.memory_space<vmem>>) semaphore(%run_scoped3A_103 : memref<!tpu.dma_semaphore, #tpu.memory_space<semaphore_mem>>)
        %dma_wait3A = arith.constant 128 : i32
        %dma_wait3A_110 = tpu.memref_slice %arg5[%run_scoped3A_101, %dma_wait3A] : memref<2x5120xi32, #tpu.memory_space<vmem>> -> memref<1x128xi32, #tpu.memory_space<vmem>>
        %dma_wait3A_111 = tpu.memref_squeeze %dma_wait3A_110 : memref<1x128xi32, #tpu.memory_space<vmem>> -> memref<128xi32, #tpu.memory_space<vmem>>
        %dma_wait3A_112 = arith.constant 0 : i32
        %dma_wait3A_113 = arith.constant 0 : i32
        %dma_wait3A_114 = tpu.memref_slice %arg2[%dma_wait3A_112, %dma_wait3A_113] : memref<10240x128xf32, #tpu.memory_space<hbm>> -> memref<10240x128xf32, #tpu.memory_space<hbm>>
        tpu.wait_indirect_dma semaphore(%run_scoped3A_103 : memref<!tpu.dma_semaphore, #tpu.memory_space<semaphore_mem>>) src(%dma_wait3A_114 : memref<10240x128xf32, #tpu.memory_space<hbm>>) dst(%arg7 : memref<128x128xf32, #tpu.memory_space<vmem>>)
        tpu.yield
      }) : () -> ()
      %run_scoped3A_102 = arith.constant 1 : i32
      "tpu.region"() ({
        %run_scoped3A_103 = tpu.sem_alloc : memref<!tpu.dma_semaphore, #tpu.memory_space<semaphore_mem>>
        %dma_start3A_104 = arith.constant 0 : i32
        %dma_start3A_105 = tpu.memref_slice %arg6[%run_scoped3A_102, %dma_start3A_104] : memref<40x128xi32, #tpu.memory_space<vmem>> -> memref<1x128xi32, #tpu.memory_space<vmem>>
        %dma_start3A_106 = tpu.memref_squeeze %dma_start3A_105 : memref<1x128xi32, #tpu.memory_space<vmem>> -> memref<128xi32, #tpu.memory_space<vmem>>
        %dma_start3A_107 = arith.constant 0 : i32
        %dma_start3A_108 = arith.constant 0 : i32
        %dma_start3A_109 = tpu.memref_slice %arg9[%dma_start3A_107, %dma_start3A_108] : memref<10240x128xf32, #tpu.memory_space<vmem_shared>> -> memref<10240x128xf32, #tpu.memory_space<vmem_shared>>
        tpu.enqueue_indirect_dma source(%arg7 : memref<128x128xf32, #tpu.memory_space<vmem>>) target(%dma_start3A_109 : memref<10240x128xf32, #tpu.memory_space<vmem_shared>>) offsets(%dma_start3A_106 : memref<128xi32, #tpu.memory_space<vmem>>) semaphore(%run_scoped3A_103 : memref<!tpu.dma_semaphore, #tpu.memory_space<semaphore_mem>>) {add = true}
        %dma_wait3A = arith.constant 0 : i32
        %dma_wait3A_110 = tpu.memref_slice %arg6[%run_scoped3A_102, %dma_wait3A] : memref<40x128xi32, #tpu.memory_space<vmem>> -> memref<1x128xi32, #tpu.memory_space<vmem>>
        %dma_wait3A_111 = tpu.memref_squeeze %dma_wait3A_110 : memref<1x128xi32, #tpu.memory_space<vmem>> -> memref<128xi32, #tpu.memory_space<vmem>>
        %dma_wait3A_112 = arith.constant 0 : i32
        %dma_wait3A_113 = arith.constant 0 : i32
        %dma_wait3A_114 = tpu.memref_slice %arg9[%dma_wait3A_112, %dma_wait3A_113] : memref<10240x128xf32, #tpu.memory_space<vmem_shared>> -> memref<10240x128xf32, #tpu.memory_space<vmem_shared>>
        tpu.wait_indirect_dma semaphore(%run_scoped3A_103 : memref<!tpu.dma_semaphore, #tpu.memory_space<semaphore_mem>>) src(%arg7 : memref<128x128xf32, #tpu.memory_space<vmem>>) dst(%dma_wait3A_114 : memref<10240x128xf32, #tpu.memory_space<vmem_shared>>)
        tpu.yield
      }) : () -> ()
    } else {
    }
    %barrier3A_86 = arith.constant 0 : index
    tpu.barrier barrier_id(%barrier3A_86)
    %mul3A_87 = arith.constant 640 : i32
    %mul3A_88 = arith.muli %arg1, %mul3A_87 : i32
    "tpu.region"() ({
      %run_scoped3A = tpu.sem_alloc : memref<!tpu.dma_semaphore, #tpu.memory_space<semaphore_mem>>
      %dma_start3A_89 = arith.constant 0 : i32
      %dma_start3A_90 = tpu.memref_slice %arg4[%arg0, %mul3A_88, %dma_start3A_89] : memref<2x10240x128xf32, #tpu.memory_space<hbm>> -> memref<1x640x128xf32, #tpu.memory_space<hbm>>
      %dma_start3A_91 = tpu.memref_squeeze %dma_start3A_90 : memref<1x640x128xf32, #tpu.memory_space<hbm>> -> memref<640x128xf32, #tpu.memory_space<hbm>>
      %dma_start3A_92 = arith.constant 0 : i32
      %dma_start3A_93 = tpu.memref_slice %arg9[%mul3A_88, %dma_start3A_92] : memref<10240x128xf32, #tpu.memory_space<vmem_shared>> -> memref<640x128xf32, #tpu.memory_space<vmem_shared>>
      tpu.enqueue_dma source(%dma_start3A_93 : memref<640x128xf32, #tpu.memory_space<vmem_shared>>) target(%dma_start3A_91 : memref<640x128xf32, #tpu.memory_space<hbm>>) target_semaphore(%run_scoped3A : memref<!tpu.dma_semaphore, #tpu.memory_space<semaphore_mem>>)
      %dma_wait3A = arith.constant 0 : i32
      %dma_wait3A_94 = tpu.memref_slice %arg4[%arg0, %mul3A_88, %dma_wait3A] : memref<2x10240x128xf32, #tpu.memory_space<hbm>> -> memref<1x640x128xf32, #tpu.memory_space<hbm>>
      %dma_wait3A_95 = tpu.memref_squeeze %dma_wait3A_94 : memref<1x640x128xf32, #tpu.memory_space<hbm>> -> memref<640x128xf32, #tpu.memory_space<hbm>>
      %dma_wait3A_96 = arith.constant 0 : i32
      %dma_wait3A_97 = tpu.memref_slice %arg9[%mul3A_88, %dma_wait3A_96] : memref<10240x128xf32, #tpu.memory_space<vmem_shared>> -> memref<640x128xf32, #tpu.memory_space<vmem_shared>>
      tpu.wait_dma2 semaphore(%run_scoped3A : memref<!tpu.dma_semaphore, #tpu.memory_space<semaphore_mem>>) src(%dma_wait3A_97 : memref<640x128xf32, #tpu.memory_space<vmem_shared>>) dst(%dma_wait3A_95 : memref<640x128xf32, #tpu.memory_space<hbm>>)
      tpu.yield
    }) : () -> ()
    return
  }
}

#map = affine_map<(d0, d1) -> (0, 0)>
module attributes {stable_mosaic.version = 14 : i64} {
  func.func @_deg_body(%arg0: i32, %arg1: i32, %arg2: memref<2x320000xi32, #tpu.memory_space<hbm>>, %arg3: memref<2x10240xf32, #tpu.memory_space<hbm>>, %arg4: memref<2x9984xi32, #tpu.memory_space<vmem>>, %arg5: memref<78x128xi32, #tpu.memory_space<vmem>>, %arg6: memref<640xf32, #tpu.memory_space<vmem>>, %arg7: memref<10240xf32, #tpu.memory_space<vmem_shared>>, %arg8: memref<!tpu.dma_semaphore, #tpu.memory_space<semaphore_mem>>) attributes {dimension_semantics = [#tpu.dimension_semantics<core_parallel>, #tpu.dimension_semantics<subcore_parallel>], iteration_bounds = array<i64: 2, 16>, scalar_prefetch = 0 : i64, scratch_operands = 5 : i64, tpu.core_type = #tpu.core_type<sc_vector_subcore>, window_params = [{transform_indices = #map}, {transform_indices = #map}]} {
    %mul3A = arith.constant 16 : i32
    %mul3A_0 = arith.muli %arg0, %mul3A : i32
    %add3A = arith.addi %mul3A_0, %arg1 : i32
    %scan3A = arith.constant 0 : i32
    %scan3A_1 = arith.constant 40 : i32
    %scan3A_2 = arith.addi %scan3A, %scan3A_1 : i32
    %scan3A_3 = arith.constant 1 : i32
    scf.for %scan3A_33 = %scan3A to %scan3A_2 step %scan3A_3  : i32 {
      %broadcast_in_dim3A = arith.constant 0.000000e+00 : f32
      %broadcast_in_dim3A_34 = vector.broadcast %broadcast_in_dim3A : f32 to vector<16xf32>
      %mul3A_35 = arith.constant 16 : i32
      %mul3A_36 = arith.muli %scan3A_33, %mul3A_35 : i32
      %swap3A = arith.index_cast %mul3A_36 : i32 to index
      %swap3A_37 = tpu.vector_load %arg6[%swap3A] {strides = array<i32>} : memref<640xf32, #tpu.memory_space<vmem>>, vector<16xf32>,
      %swap3A_38 = vector.shape_cast %swap3A_37 : vector<16xf32> to vector<16xf32>
      %swap3A_39 = vector.shape_cast %broadcast_in_dim3A_34 : vector<16xf32> to vector<16xf32>
      tpu.vector_store %arg6[%swap3A], %swap3A_39 {strides = array<i32>} : memref<640xf32, #tpu.memory_space<vmem>>, vector<16xf32>,
    }
    %scan3A_4 = arith.constant 40 : i32
    %mul3A_5 = arith.constant 640 : i32
    %mul3A_6 = arith.muli %arg1, %mul3A_5 : i32
    "tpu.region"() ({
      %run_scoped3A = tpu.sem_alloc : memref<!tpu.dma_semaphore, #tpu.memory_space<semaphore_mem>>
      %dma_start3A = tpu.memref_slice %arg7[%mul3A_6] : memref<10240xf32, #tpu.memory_space<vmem_shared>> -> memref<640xf32, #tpu.memory_space<vmem_shared>>
      %dma_start3A_33 = tpu.memref_slice %arg7[%mul3A_6] : memref<10240xf32, #tpu.memory_space<vmem_shared>> -> memref<640xf32, #tpu.memory_space<vmem_shared>>
      tpu.enqueue_dma source(%arg6 : memref<640xf32, #tpu.memory_space<vmem>>) target(%dma_start3A_33 : memref<640xf32, #tpu.memory_space<vmem_shared>>) target_semaphore(%run_scoped3A : memref<!tpu.dma_semaphore, #tpu.memory_space<semaphore_mem>>)
      %dma_wait3A = tpu.memref_slice %arg7[%mul3A_6] : memref<10240xf32, #tpu.memory_space<vmem_shared>> -> memref<640xf32, #tpu.memory_space<vmem_shared>>
      %dma_wait3A_34 = tpu.memref_slice %arg7[%mul3A_6] : memref<10240xf32, #tpu.memory_space<vmem_shared>> -> memref<640xf32, #tpu.memory_space<vmem_shared>>
      tpu.wait_dma2 semaphore(%run_scoped3A : memref<!tpu.dma_semaphore, #tpu.memory_space<semaphore_mem>>) src(%arg6 : memref<640xf32, #tpu.memory_space<vmem>>) dst(%dma_wait3A_34 : memref<640xf32, #tpu.memory_space<vmem_shared>>)
      tpu.yield
    }) : () -> ()
    %barrier3A = arith.constant 0 : index
    tpu.barrier barrier_id(%barrier3A)
    %scan3A_7 = arith.constant 0 : i32
    %scan3A_8 = arith.constant 8 : i32
    %scan3A_9 = arith.addi %scan3A_7, %scan3A_8 : i32
    %scan3A_10 = arith.constant 1 : i32
    scf.for %scan3A_33 = %scan3A_7 to %scan3A_9 step %scan3A_10  : i32 {
      %broadcast_in_dim3A = arith.constant 1.000000e+00 : f32
      %broadcast_in_dim3A_34 = vector.broadcast %broadcast_in_dim3A : f32 to vector<16xf32>
      %mul3A_35 = arith.constant 16 : i32
      %mul3A_36 = arith.muli %scan3A_33, %mul3A_35 : i32
      %swap3A = arith.index_cast %mul3A_36 : i32 to index
      %swap3A_37 = tpu.vector_load %arg6[%swap3A] {strides = array<i32>} : memref<640xf32, #tpu.memory_space<vmem>>, vector<16xf32>,
      %swap3A_38 = vector.shape_cast %swap3A_37 : vector<16xf32> to vector<16xf32>
      %swap3A_39 = vector.shape_cast %broadcast_in_dim3A_34 : vector<16xf32> to vector<16xf32>
      tpu.vector_store %arg6[%swap3A], %swap3A_39 {strides = array<i32>} : memref<640xf32, #tpu.memory_space<vmem>>, vector<16xf32>,
    }
    %scan3A_11 = arith.constant 8 : i32
    %mul3A_12 = arith.constant 78 : i32
    %mul3A_13 = arith.muli %add3A, %mul3A_12 : i32
    %mul3A_14 = arith.constant 128 : i32
    %mul3A_15 = arith.muli %mul3A_13, %mul3A_14 : i32
    "tpu.region"() ({
      %run_scoped3A = tpu.sem_alloc : memref<!tpu.dma_semaphore, #tpu.memory_space<semaphore_mem>>
      %dma_start3A = arith.constant 0 : i32
      %dma_start3A_33 = arith.constant 0 : i32
      %dma_start3A_34 = tpu.memref_slice %arg4[%dma_start3A, %dma_start3A_33] : memref<2x9984xi32, #tpu.memory_space<vmem>> -> memref<2x9984xi32, #tpu.memory_space<vmem>>
      %dma_start3A_35 = arith.constant 0 : i32
      %dma_start3A_36 = tpu.memref_slice %arg2[%dma_start3A_35, %mul3A_15] : memref<2x320000xi32, #tpu.memory_space<hbm>> -> memref<2x9984xi32, #tpu.memory_space<hbm>>
      %dma_start3A_37 = arith.constant 0 : i32
      %dma_start3A_38 = arith.constant 0 : i32
      %dma_start3A_39 = tpu.memref_slice %arg4[%dma_start3A_37, %dma_start3A_38] : memref<2x9984xi32, #tpu.memory_space<vmem>> -> memref<2x9984xi32, #tpu.memory_space<vmem>>
      %dma_start3A_40 = arith.constant 0 : i32
      %dma_start3A_41 = tpu.memref_slice %arg2[%dma_start3A_40, %mul3A_15] : memref<2x320000xi32, #tpu.memory_space<hbm>> -> memref<2x9984xi32, #tpu.memory_space<hbm>>
      tpu.enqueue_dma source(%dma_start3A_41 : memref<2x9984xi32, #tpu.memory_space<hbm>>) target(%dma_start3A_39 : memref<2x9984xi32, #tpu.memory_space<vmem>>) target_semaphore(%run_scoped3A : memref<!tpu.dma_semaphore, #tpu.memory_space<semaphore_mem>>)
      %dma_wait3A = arith.constant 0 : i32
      %dma_wait3A_42 = arith.constant 0 : i32
      %dma_wait3A_43 = tpu.memref_slice %arg4[%dma_wait3A, %dma_wait3A_42] : memref<2x9984xi32, #tpu.memory_space<vmem>> -> memref<2x9984xi32, #tpu.memory_space<vmem>>
      %dma_wait3A_44 = arith.constant 0 : i32
      %dma_wait3A_45 = tpu.memref_slice %arg2[%dma_wait3A_44, %mul3A_15] : memref<2x320000xi32, #tpu.memory_space<hbm>> -> memref<2x9984xi32, #tpu.memory_space<hbm>>
      %dma_wait3A_46 = arith.constant 0 : i32
      %dma_wait3A_47 = arith.constant 0 : i32
      %dma_wait3A_48 = tpu.memref_slice %arg4[%dma_wait3A_46, %dma_wait3A_47] : memref<2x9984xi32, #tpu.memory_space<vmem>> -> memref<2x9984xi32, #tpu.memory_space<vmem>>
      %dma_wait3A_49 = arith.constant 0 : i32
      %dma_wait3A_50 = tpu.memref_slice %arg2[%dma_wait3A_49, %mul3A_15] : memref<2x320000xi32, #tpu.memory_space<hbm>> -> memref<2x9984xi32, #tpu.memory_space<hbm>>
      tpu.wait_dma2 semaphore(%run_scoped3A : memref<!tpu.dma_semaphore, #tpu.memory_space<semaphore_mem>>) src(%dma_wait3A_50 : memref<2x9984xi32, #tpu.memory_space<hbm>>) dst(%dma_wait3A_48 : memref<2x9984xi32, #tpu.memory_space<vmem>>)
      tpu.yield
    }) : () -> ()
    %scan3A_16 = arith.constant 0 : i32
    %scan3A_17 = arith.constant 78 : i32
    %scan3A_18 = arith.addi %scan3A_16, %scan3A_17 : i32
    %scan3A_19 = arith.constant 1 : i32
    scf.for %scan3A_33 = %scan3A_16 to %scan3A_18 step %scan3A_19  : i32 {
      %mul3A_34 = arith.constant 128 : i32
      %mul3A_35 = arith.muli %scan3A_33, %mul3A_34 : i32
      %add3A_36 = arith.constant 0 : i32
      %add3A_37 = arith.addi %mul3A_35, %add3A_36 : i32
      %get3A = arith.constant 1 : i32
      %get3A_38 = arith.index_cast %get3A : i32 to index
      %get3A_39 = arith.index_cast %add3A_37 : i32 to index
      %get3A_40 = tpu.vector_load %arg4[%get3A_38, %get3A_39] {strides = array<i32>} : memref<2x9984xi32, #tpu.memory_space<vmem>>, vector<1x16xi32>,
      %get3A_41 = vector.shape_cast %get3A_40 : vector<1x16xi32> to vector<16xi32>
      %swap3A = arith.index_cast %scan3A_33 : i32 to index
      %swap3A_42 = arith.constant 0 : index
      %swap3A_43 = tpu.vector_load %arg5[%swap3A, %swap3A_42] {strides = array<i32>} : memref<78x128xi32, #tpu.memory_space<vmem>>, vector<1x16xi32>,
      %swap3A_44 = vector.shape_cast %swap3A_43 : vector<1x16xi32> to vector<16xi32>
      %swap3A_45 = vector.shape_cast %get3A_41 : vector<16xi32> to vector<1x16xi32>
      tpu.vector_store %arg5[%swap3A, %swap3A_42], %swap3A_45 {strides = array<i32>} : memref<78x128xi32, #tpu.memory_space<vmem>>, vector<1x16xi32>,
      %mul3A_46 = arith.constant 128 : i32
      %mul3A_47 = arith.muli %scan3A_33, %mul3A_46 : i32
      %add3A_48 = arith.constant 16 : i32
      %add3A_49 = arith.addi %mul3A_47, %add3A_48 : i32
      %get3A_50 = arith.constant 1 : i32
      %get3A_51 = arith.index_cast %get3A_50 : i32 to index
      %get3A_52 = arith.index_cast %add3A_49 : i32 to index
      %get3A_53 = tpu.vector_load %arg4[%get3A_51, %get3A_52] {strides = array<i32>} : memref<2x9984xi32, #tpu.memory_space<vmem>>, vector<1x16xi32>,
      %get3A_54 = vector.shape_cast %get3A_53 : vector<1x16xi32> to vector<16xi32>
      %swap3A_55 = arith.index_cast %scan3A_33 : i32 to index
      %swap3A_56 = arith.constant 16 : index
      %swap3A_57 = tpu.vector_load %arg5[%swap3A_55, %swap3A_56] {strides = array<i32>} : memref<78x128xi32, #tpu.memory_space<vmem>>, vector<1x16xi32>,
      %swap3A_58 = vector.shape_cast %swap3A_57 : vector<1x16xi32> to vector<16xi32>
      %swap3A_59 = vector.shape_cast %get3A_54 : vector<16xi32> to vector<1x16xi32>
      tpu.vector_store %arg5[%swap3A_55, %swap3A_56], %swap3A_59 {strides = array<i32>} : memref<78x128xi32, #tpu.memory_space<vmem>>, vector<1x16xi32>,
      %mul3A_60 = arith.constant 128 : i32
      %mul3A_61 = arith.muli %scan3A_33, %mul3A_60 : i32
      %add3A_62 = arith.constant 32 : i32
      %add3A_63 = arith.addi %mul3A_61, %add3A_62 : i32
      %get3A_64 = arith.constant 1 : i32
      %get3A_65 = arith.index_cast %get3A_64 : i32 to index
      %get3A_66 = arith.index_cast %add3A_63 : i32 to index
      %get3A_67 = tpu.vector_load %arg4[%get3A_65, %get3A_66] {strides = array<i32>} : memref<2x9984xi32, #tpu.memory_space<vmem>>, vector<1x16xi32>,
      %get3A_68 = vector.shape_cast %get3A_67 : vector<1x16xi32> to vector<16xi32>
      %swap3A_69 = arith.index_cast %scan3A_33 : i32 to index
      %swap3A_70 = arith.constant 32 : index
      %swap3A_71 = tpu.vector_load %arg5[%swap3A_69, %swap3A_70] {strides = array<i32>} : memref<78x128xi32, #tpu.memory_space<vmem>>, vector<1x16xi32>,
      %swap3A_72 = vector.shape_cast %swap3A_71 : vector<1x16xi32> to vector<16xi32>
      %swap3A_73 = vector.shape_cast %get3A_68 : vector<16xi32> to vector<1x16xi32>
      tpu.vector_store %arg5[%swap3A_69, %swap3A_70], %swap3A_73 {strides = array<i32>} : memref<78x128xi32, #tpu.memory_space<vmem>>, vector<1x16xi32>,
      %mul3A_74 = arith.constant 128 : i32
      %mul3A_75 = arith.muli %scan3A_33, %mul3A_74 : i32
      %add3A_76 = arith.constant 48 : i32
      %add3A_77 = arith.addi %mul3A_75, %add3A_76 : i32
      %get3A_78 = arith.constant 1 : i32
      %get3A_79 = arith.index_cast %get3A_78 : i32 to index
      %get3A_80 = arith.index_cast %add3A_77 : i32 to index
      %get3A_81 = tpu.vector_load %arg4[%get3A_79, %get3A_80] {strides = array<i32>} : memref<2x9984xi32, #tpu.memory_space<vmem>>, vector<1x16xi32>,
      %get3A_82 = vector.shape_cast %get3A_81 : vector<1x16xi32> to vector<16xi32>
      %swap3A_83 = arith.index_cast %scan3A_33 : i32 to index
      %swap3A_84 = arith.constant 48 : index
      %swap3A_85 = tpu.vector_load %arg5[%swap3A_83, %swap3A_84] {strides = array<i32>} : memref<78x128xi32, #tpu.memory_space<vmem>>, vector<1x16xi32>,
      %swap3A_86 = vector.shape_cast %swap3A_85 : vector<1x16xi32> to vector<16xi32>
      %swap3A_87 = vector.shape_cast %get3A_82 : vector<16xi32> to vector<1x16xi32>
      tpu.vector_store %arg5[%swap3A_83, %swap3A_84], %swap3A_87 {strides = array<i32>} : memref<78x128xi32, #tpu.memory_space<vmem>>, vector<1x16xi32>,
      %mul3A_88 = arith.constant 128 : i32
      %mul3A_89 = arith.muli %scan3A_33, %mul3A_88 : i32
      %add3A_90 = arith.constant 64 : i32
      %add3A_91 = arith.addi %mul3A_89, %add3A_90 : i32
      %get3A_92 = arith.constant 1 : i32
      %get3A_93 = arith.index_cast %get3A_92 : i32 to index
      %get3A_94 = arith.index_cast %add3A_91 : i32 to index
      %get3A_95 = tpu.vector_load %arg4[%get3A_93, %get3A_94] {strides = array<i32>} : memref<2x9984xi32, #tpu.memory_space<vmem>>, vector<1x16xi32>,
      %get3A_96 = vector.shape_cast %get3A_95 : vector<1x16xi32> to vector<16xi32>
      %swap3A_97 = arith.index_cast %scan3A_33 : i32 to index
      %swap3A_98 = arith.constant 64 : index
      %swap3A_99 = tpu.vector_load %arg5[%swap3A_97, %swap3A_98] {strides = array<i32>} : memref<78x128xi32, #tpu.memory_space<vmem>>, vector<1x16xi32>,
      %swap3A_100 = vector.shape_cast %swap3A_99 : vector<1x16xi32> to vector<16xi32>
      %swap3A_101 = vector.shape_cast %get3A_96 : vector<16xi32> to vector<1x16xi32>
      tpu.vector_store %arg5[%swap3A_97, %swap3A_98], %swap3A_101 {strides = array<i32>} : memref<78x128xi32, #tpu.memory_space<vmem>>, vector<1x16xi32>,
      %mul3A_102 = arith.constant 128 : i32
      %mul3A_103 = arith.muli %scan3A_33, %mul3A_102 : i32
      %add3A_104 = arith.constant 80 : i32
      %add3A_105 = arith.addi %mul3A_103, %add3A_104 : i32
      %get3A_106 = arith.constant 1 : i32
      %get3A_107 = arith.index_cast %get3A_106 : i32 to index
      %get3A_108 = arith.index_cast %add3A_105 : i32 to index
      %get3A_109 = tpu.vector_load %arg4[%get3A_107, %get3A_108] {strides = array<i32>} : memref<2x9984xi32, #tpu.memory_space<vmem>>, vector<1x16xi32>,
      %get3A_110 = vector.shape_cast %get3A_109 : vector<1x16xi32> to vector<16xi32>
      %swap3A_111 = arith.index_cast %scan3A_33 : i32 to index
      %swap3A_112 = arith.constant 80 : index
      %swap3A_113 = tpu.vector_load %arg5[%swap3A_111, %swap3A_112] {strides = array<i32>} : memref<78x128xi32, #tpu.memory_space<vmem>>, vector<1x16xi32>,
      %swap3A_114 = vector.shape_cast %swap3A_113 : vector<1x16xi32> to vector<16xi32>
      %swap3A_115 = vector.shape_cast %get3A_110 : vector<16xi32> to vector<1x16xi32>
      tpu.vector_store %arg5[%swap3A_111, %swap3A_112], %swap3A_115 {strides = array<i32>} : memref<78x128xi32, #tpu.memory_space<vmem>>, vector<1x16xi32>,
      %mul3A_116 = arith.constant 128 : i32
      %mul3A_117 = arith.muli %scan3A_33, %mul3A_116 : i32
      %add3A_118 = arith.constant 96 : i32
      %add3A_119 = arith.addi %mul3A_117, %add3A_118 : i32
      %get3A_120 = arith.constant 1 : i32
      %get3A_121 = arith.index_cast %get3A_120 : i32 to index
      %get3A_122 = arith.index_cast %add3A_119 : i32 to index
      %get3A_123 = tpu.vector_load %arg4[%get3A_121, %get3A_122] {strides = array<i32>} : memref<2x9984xi32, #tpu.memory_space<vmem>>, vector<1x16xi32>,
      %get3A_124 = vector.shape_cast %get3A_123 : vector<1x16xi32> to vector<16xi32>
      %swap3A_125 = arith.index_cast %scan3A_33 : i32 to index
      %swap3A_126 = arith.constant 96 : index
      %swap3A_127 = tpu.vector_load %arg5[%swap3A_125, %swap3A_126] {strides = array<i32>} : memref<78x128xi32, #tpu.memory_space<vmem>>, vector<1x16xi32>,
      %swap3A_128 = vector.shape_cast %swap3A_127 : vector<1x16xi32> to vector<16xi32>
      %swap3A_129 = vector.shape_cast %get3A_124 : vector<16xi32> to vector<1x16xi32>
      tpu.vector_store %arg5[%swap3A_125, %swap3A_126], %swap3A_129 {strides = array<i32>} : memref<78x128xi32, #tpu.memory_space<vmem>>, vector<1x16xi32>,
      %mul3A_130 = arith.constant 128 : i32
      %mul3A_131 = arith.muli %scan3A_33, %mul3A_130 : i32
      %add3A_132 = arith.constant 112 : i32
      %add3A_133 = arith.addi %mul3A_131, %add3A_132 : i32
      %get3A_134 = arith.constant 1 : i32
      %get3A_135 = arith.index_cast %get3A_134 : i32 to index
      %get3A_136 = arith.index_cast %add3A_133 : i32 to index
      %get3A_137 = tpu.vector_load %arg4[%get3A_135, %get3A_136] {strides = array<i32>} : memref<2x9984xi32, #tpu.memory_space<vmem>>, vector<1x16xi32>,
      %get3A_138 = vector.shape_cast %get3A_137 : vector<1x16xi32> to vector<16xi32>
      %swap3A_139 = arith.index_cast %scan3A_33 : i32 to index
      %swap3A_140 = arith.constant 112 : index
      %swap3A_141 = tpu.vector_load %arg5[%swap3A_139, %swap3A_140] {strides = array<i32>} : memref<78x128xi32, #tpu.memory_space<vmem>>, vector<1x16xi32>,
      %swap3A_142 = vector.shape_cast %swap3A_141 : vector<1x16xi32> to vector<16xi32>
      %swap3A_143 = vector.shape_cast %get3A_138 : vector<16xi32> to vector<1x16xi32>
      tpu.vector_store %arg5[%swap3A_139, %swap3A_140], %swap3A_143 {strides = array<i32>} : memref<78x128xi32, #tpu.memory_space<vmem>>, vector<1x16xi32>,
    }
    %scan3A_20 = arith.constant 78 : i32
    %scan3A_21 = arith.constant 0 : i32
    %scan3A_22 = arith.constant 39 : i32
    %scan3A_23 = arith.addi %scan3A_21, %scan3A_22 : i32
    %scan3A_24 = arith.constant 1 : i32
    scf.for %scan3A_33 = %scan3A_21 to %scan3A_23 step %scan3A_24  : i32 {
      %mul3A_34 = arith.constant 2 : i32
      %mul3A_35 = arith.muli %scan3A_33, %mul3A_34 : i32
      %add3A_36 = arith.constant 0 : i32
      %add3A_37 = arith.addi %mul3A_35, %add3A_36 : i32
      %dma_start3A = arith.constant 0 : i32
      %dma_start3A_38 = tpu.memref_slice %arg6[%dma_start3A] : memref<640xf32, #tpu.memory_space<vmem>> -> memref<128xf32, #tpu.memory_space<vmem>>
      %dma_start3A_39 = arith.constant 0 : i32
      %dma_start3A_40 = tpu.memref_slice %arg5[%add3A_37, %dma_start3A_39] : memref<78x128xi32, #tpu.memory_space<vmem>> -> memref<1x128xi32, #tpu.memory_space<vmem>>
      %dma_start3A_41 = tpu.memref_squeeze %dma_start3A_40 : memref<1x128xi32, #tpu.memory_space<vmem>> -> memref<128xi32, #tpu.memory_space<vmem>>
      %dma_start3A_42 = arith.constant 0 : i32
      %dma_start3A_43 = tpu.memref_slice %arg7[%dma_start3A_42] : memref<10240xf32, #tpu.memory_space<vmem_shared>> -> memref<10240xf32, #tpu.memory_space<vmem_shared>>
      tpu.enqueue_indirect_dma source(%dma_start3A_38 : memref<128xf32, #tpu.memory_space<vmem>>) target(%dma_start3A_43 : memref<10240xf32, #tpu.memory_space<vmem_shared>>) offsets(%dma_start3A_41 : memref<128xi32, #tpu.memory_space<vmem>>) semaphore(%arg8 : memref<!tpu.dma_semaphore, #tpu.memory_space<semaphore_mem>>) {add = true}
      %mul3A_44 = arith.constant 2 : i32
      %mul3A_45 = arith.muli %scan3A_33, %mul3A_44 : i32
      %add3A_46 = arith.constant 1 : i32
      %add3A_47 = arith.addi %mul3A_45, %add3A_46 : i32
      %dma_start3A_48 = arith.constant 0 : i32
      %dma_start3A_49 = tpu.memref_slice %arg6[%dma_start3A_48] : memref<640xf32, #tpu.memory_space<vmem>> -> memref<128xf32, #tpu.memory_space<vmem>>
      %dma_start3A_50 = arith.constant 0 : i32
      %dma_start3A_51 = tpu.memref_slice %arg5[%add3A_47, %dma_start3A_50] : memref<78x128xi32, #tpu.memory_space<vmem>> -> memref<1x128xi32, #tpu.memory_space<vmem>>
      %dma_start3A_52 = tpu.memref_squeeze %dma_start3A_51 : memref<1x128xi32, #tpu.memory_space<vmem>> -> memref<128xi32, #tpu.memory_space<vmem>>
      %dma_start3A_53 = arith.constant 0 : i32
      %dma_start3A_54 = tpu.memref_slice %arg7[%dma_start3A_53] : memref<10240xf32, #tpu.memory_space<vmem_shared>> -> memref<10240xf32, #tpu.memory_space<vmem_shared>>
      tpu.enqueue_indirect_dma source(%dma_start3A_49 : memref<128xf32, #tpu.memory_space<vmem>>) target(%dma_start3A_54 : memref<10240xf32, #tpu.memory_space<vmem_shared>>) offsets(%dma_start3A_52 : memref<128xi32, #tpu.memory_space<vmem>>) semaphore(%arg8 : memref<!tpu.dma_semaphore, #tpu.memory_space<semaphore_mem>>) {add = true}
      %mul3A_55 = arith.constant 2 : i32
      %mul3A_56 = arith.muli %scan3A_33, %mul3A_55 : i32
      %add3A_57 = arith.constant 0 : i32
      %add3A_58 = arith.addi %mul3A_56, %add3A_57 : i32
      %dma_wait3A = arith.constant 0 : i32
      %dma_wait3A_59 = tpu.memref_slice %arg6[%dma_wait3A] : memref<640xf32, #tpu.memory_space<vmem>> -> memref<128xf32, #tpu.memory_space<vmem>>
      %dma_wait3A_60 = arith.constant 0 : i32
      %dma_wait3A_61 = tpu.memref_slice %arg5[%add3A_58, %dma_wait3A_60] : memref<78x128xi32, #tpu.memory_space<vmem>> -> memref<1x128xi32, #tpu.memory_space<vmem>>
      %dma_wait3A_62 = tpu.memref_squeeze %dma_wait3A_61 : memref<1x128xi32, #tpu.memory_space<vmem>> -> memref<128xi32, #tpu.memory_space<vmem>>
      %dma_wait3A_63 = arith.constant 0 : i32
      %dma_wait3A_64 = tpu.memref_slice %arg7[%dma_wait3A_63] : memref<10240xf32, #tpu.memory_space<vmem_shared>> -> memref<10240xf32, #tpu.memory_space<vmem_shared>>
      tpu.wait_indirect_dma semaphore(%arg8 : memref<!tpu.dma_semaphore, #tpu.memory_space<semaphore_mem>>) src(%dma_wait3A_59 : memref<128xf32, #tpu.memory_space<vmem>>) dst(%dma_wait3A_64 : memref<10240xf32, #tpu.memory_space<vmem_shared>>)
      %mul3A_65 = arith.constant 2 : i32
      %mul3A_66 = arith.muli %scan3A_33, %mul3A_65 : i32
      %add3A_67 = arith.constant 1 : i32
      %add3A_68 = arith.addi %mul3A_66, %add3A_67 : i32
      %dma_wait3A_69 = arith.constant 0 : i32
      %dma_wait3A_70 = tpu.memref_slice %arg6[%dma_wait3A_69] : memref<640xf32, #tpu.memory_space<vmem>> -> memref<128xf32, #tpu.memory_space<vmem>>
      %dma_wait3A_71 = arith.constant 0 : i32
      %dma_wait3A_72 = tpu.memref_slice %arg5[%add3A_68, %dma_wait3A_71] : memref<78x128xi32, #tpu.memory_space<vmem>> -> memref<1x128xi32, #tpu.memory_space<vmem>>
      %dma_wait3A_73 = tpu.memref_squeeze %dma_wait3A_72 : memref<1x128xi32, #tpu.memory_space<vmem>> -> memref<128xi32, #tpu.memory_space<vmem>>
      %dma_wait3A_74 = arith.constant 0 : i32
      %dma_wait3A_75 = tpu.memref_slice %arg7[%dma_wait3A_74] : memref<10240xf32, #tpu.memory_space<vmem_shared>> -> memref<10240xf32, #tpu.memory_space<vmem_shared>>
      tpu.wait_indirect_dma semaphore(%arg8 : memref<!tpu.dma_semaphore, #tpu.memory_space<semaphore_mem>>) src(%dma_wait3A_70 : memref<128xf32, #tpu.memory_space<vmem>>) dst(%dma_wait3A_75 : memref<10240xf32, #tpu.memory_space<vmem_shared>>)
    }
    %scan3A_25 = arith.constant 39 : i32
    %eq3A = arith.constant 0 : i32
    %eq3A_26 = arith.cmpi eq, %arg1, %eq3A : i32
    %convert_element_type3A = arith.extui %eq3A_26 : i1 to i32
    %cond3A = arith.constant 0 : i32
    %cond3A_27 = arith.cmpi ne, %convert_element_type3A, %cond3A : i32
    scf.if %cond3A_27 {
      %mul3A_33 = arith.constant 2 : i32
      %mul3A_34 = arith.muli %mul3A_33, %arg0 : i32
      %add3A_35 = arith.constant 2496 : i32
      %add3A_36 = arith.addi %add3A_35, %mul3A_34 : i32
      %mul3A_37 = arith.constant 128 : i32
      %mul3A_38 = arith.muli %add3A_36, %mul3A_37 : i32
      "tpu.region"() ({
        %run_scoped3A_45 = tpu.sem_alloc : memref<!tpu.dma_semaphore, #tpu.memory_space<semaphore_mem>>
        %dma_start3A = arith.constant 0 : i32
        %dma_start3A_46 = arith.constant 0 : i32
        %dma_start3A_47 = tpu.memref_slice %arg4[%dma_start3A, %dma_start3A_46] : memref<2x9984xi32, #tpu.memory_space<vmem>> -> memref<2x256xi32, #tpu.memory_space<vmem>>
        %dma_start3A_48 = arith.constant 0 : i32
        %dma_start3A_49 = tpu.memref_slice %arg2[%dma_start3A_48, %mul3A_38] : memref<2x320000xi32, #tpu.memory_space<hbm>> -> memref<2x256xi32, #tpu.memory_space<hbm>>
        %dma_start3A_50 = arith.constant 0 : i32
        %dma_start3A_51 = arith.constant 0 : i32
        %dma_start3A_52 = tpu.memref_slice %arg4[%dma_start3A_50, %dma_start3A_51] : memref<2x9984xi32, #tpu.memory_space<vmem>> -> memref<2x256xi32, #tpu.memory_space<vmem>>
        %dma_start3A_53 = arith.constant 0 : i32
        %dma_start3A_54 = tpu.memref_slice %arg2[%dma_start3A_53, %mul3A_38] : memref<2x320000xi32, #tpu.memory_space<hbm>> -> memref<2x256xi32, #tpu.memory_space<hbm>>
        tpu.enqueue_dma source(%dma_start3A_54 : memref<2x256xi32, #tpu.memory_space<hbm>>) target(%dma_start3A_52 : memref<2x256xi32, #tpu.memory_space<vmem>>) target_semaphore(%run_scoped3A_45 : memref<!tpu.dma_semaphore, #tpu.memory_space<semaphore_mem>>)
        %dma_wait3A = arith.constant 0 : i32
        %dma_wait3A_55 = arith.constant 0 : i32
        %dma_wait3A_56 = tpu.memref_slice %arg4[%dma_wait3A, %dma_wait3A_55] : memref<2x9984xi32, #tpu.memory_space<vmem>> -> memref<2x256xi32, #tpu.memory_space<vmem>>
        %dma_wait3A_57 = arith.constant 0 : i32
        %dma_wait3A_58 = tpu.memref_slice %arg2[%dma_wait3A_57, %mul3A_38] : memref<2x320000xi32, #tpu.memory_space<hbm>> -> memref<2x256xi32, #tpu.memory_space<hbm>>
        %dma_wait3A_59 = arith.constant 0 : i32
        %dma_wait3A_60 = arith.constant 0 : i32
        %dma_wait3A_61 = tpu.memref_slice %arg4[%dma_wait3A_59, %dma_wait3A_60] : memref<2x9984xi32, #tpu.memory_space<vmem>> -> memref<2x256xi32, #tpu.memory_space<vmem>>
        %dma_wait3A_62 = arith.constant 0 : i32
        %dma_wait3A_63 = tpu.memref_slice %arg2[%dma_wait3A_62, %mul3A_38] : memref<2x320000xi32, #tpu.memory_space<hbm>> -> memref<2x256xi32, #tpu.memory_space<hbm>>
        tpu.wait_dma2 semaphore(%run_scoped3A_45 : memref<!tpu.dma_semaphore, #tpu.memory_space<semaphore_mem>>) src(%dma_wait3A_63 : memref<2x256xi32, #tpu.memory_space<hbm>>) dst(%dma_wait3A_61 : memref<2x256xi32, #tpu.memory_space<vmem>>)
        tpu.yield
      }) : () -> ()
      %scan3A_39 = arith.constant 0 : i32
      %scan3A_40 = arith.constant 2 : i32
      %scan3A_41 = arith.addi %scan3A_39, %scan3A_40 : i32
      %scan3A_42 = arith.constant 1 : i32
      scf.for %scan3A_45 = %scan3A_39 to %scan3A_41 step %scan3A_42  : i32 {
        %mul3A_46 = arith.constant 128 : i32
        %mul3A_47 = arith.muli %scan3A_45, %mul3A_46 : i32
        %add3A_48 = arith.constant 0 : i32
        %add3A_49 = arith.addi %mul3A_47, %add3A_48 : i32
        %get3A = arith.constant 1 : i32
        %get3A_50 = arith.index_cast %get3A : i32 to index
        %get3A_51 = arith.index_cast %add3A_49 : i32 to index
        %get3A_52 = tpu.vector_load %arg4[%get3A_50, %get3A_51] {strides = array<i32>} : memref<2x9984xi32, #tpu.memory_space<vmem>>, vector<1x16xi32>,
        %get3A_53 = vector.shape_cast %get3A_52 : vector<1x16xi32> to vector<16xi32>
        %swap3A = arith.index_cast %scan3A_45 : i32 to index
        %swap3A_54 = arith.constant 0 : index
        %swap3A_55 = tpu.vector_load %arg5[%swap3A, %swap3A_54] {strides = array<i32>} : memref<78x128xi32, #tpu.memory_space<vmem>>, vector<1x16xi32>,
        %swap3A_56 = vector.shape_cast %swap3A_55 : vector<1x16xi32> to vector<16xi32>
        %swap3A_57 = vector.shape_cast %get3A_53 : vector<16xi32> to vector<1x16xi32>
        tpu.vector_store %arg5[%swap3A, %swap3A_54], %swap3A_57 {strides = array<i32>} : memref<78x128xi32, #tpu.memory_space<vmem>>, vector<1x16xi32>,
        %mul3A_58 = arith.constant 128 : i32
        %mul3A_59 = arith.muli %scan3A_45, %mul3A_58 : i32
        %add3A_60 = arith.constant 16 : i32
        %add3A_61 = arith.addi %mul3A_59, %add3A_60 : i32
        %get3A_62 = arith.constant 1 : i32
        %get3A_63 = arith.index_cast %get3A_62 : i32 to index
        %get3A_64 = arith.index_cast %add3A_61 : i32 to index
        %get3A_65 = tpu.vector_load %arg4[%get3A_63, %get3A_64] {strides = array<i32>} : memref<2x9984xi32, #tpu.memory_space<vmem>>, vector<1x16xi32>,
        %get3A_66 = vector.shape_cast %get3A_65 : vector<1x16xi32> to vector<16xi32>
        %swap3A_67 = arith.index_cast %scan3A_45 : i32 to index
        %swap3A_68 = arith.constant 16 : index
        %swap3A_69 = tpu.vector_load %arg5[%swap3A_67, %swap3A_68] {strides = array<i32>} : memref<78x128xi32, #tpu.memory_space<vmem>>, vector<1x16xi32>,
        %swap3A_70 = vector.shape_cast %swap3A_69 : vector<1x16xi32> to vector<16xi32>
        %swap3A_71 = vector.shape_cast %get3A_66 : vector<16xi32> to vector<1x16xi32>
        tpu.vector_store %arg5[%swap3A_67, %swap3A_68], %swap3A_71 {strides = array<i32>} : memref<78x128xi32, #tpu.memory_space<vmem>>, vector<1x16xi32>,
        %mul3A_72 = arith.constant 128 : i32
        %mul3A_73 = arith.muli %scan3A_45, %mul3A_72 : i32
        %add3A_74 = arith.constant 32 : i32
        %add3A_75 = arith.addi %mul3A_73, %add3A_74 : i32
        %get3A_76 = arith.constant 1 : i32
        %get3A_77 = arith.index_cast %get3A_76 : i32 to index
        %get3A_78 = arith.index_cast %add3A_75 : i32 to index
        %get3A_79 = tpu.vector_load %arg4[%get3A_77, %get3A_78] {strides = array<i32>} : memref<2x9984xi32, #tpu.memory_space<vmem>>, vector<1x16xi32>,
        %get3A_80 = vector.shape_cast %get3A_79 : vector<1x16xi32> to vector<16xi32>
        %swap3A_81 = arith.index_cast %scan3A_45 : i32 to index
        %swap3A_82 = arith.constant 32 : index
        %swap3A_83 = tpu.vector_load %arg5[%swap3A_81, %swap3A_82] {strides = array<i32>} : memref<78x128xi32, #tpu.memory_space<vmem>>, vector<1x16xi32>,
        %swap3A_84 = vector.shape_cast %swap3A_83 : vector<1x16xi32> to vector<16xi32>
        %swap3A_85 = vector.shape_cast %get3A_80 : vector<16xi32> to vector<1x16xi32>
        tpu.vector_store %arg5[%swap3A_81, %swap3A_82], %swap3A_85 {strides = array<i32>} : memref<78x128xi32, #tpu.memory_space<vmem>>, vector<1x16xi32>,
        %mul3A_86 = arith.constant 128 : i32
        %mul3A_87 = arith.muli %scan3A_45, %mul3A_86 : i32
        %add3A_88 = arith.constant 48 : i32
        %add3A_89 = arith.addi %mul3A_87, %add3A_88 : i32
        %get3A_90 = arith.constant 1 : i32
        %get3A_91 = arith.index_cast %get3A_90 : i32 to index
        %get3A_92 = arith.index_cast %add3A_89 : i32 to index
        %get3A_93 = tpu.vector_load %arg4[%get3A_91, %get3A_92] {strides = array<i32>} : memref<2x9984xi32, #tpu.memory_space<vmem>>, vector<1x16xi32>,
        %get3A_94 = vector.shape_cast %get3A_93 : vector<1x16xi32> to vector<16xi32>
        %swap3A_95 = arith.index_cast %scan3A_45 : i32 to index
        %swap3A_96 = arith.constant 48 : index
        %swap3A_97 = tpu.vector_load %arg5[%swap3A_95, %swap3A_96] {strides = array<i32>} : memref<78x128xi32, #tpu.memory_space<vmem>>, vector<1x16xi32>,
        %swap3A_98 = vector.shape_cast %swap3A_97 : vector<1x16xi32> to vector<16xi32>
        %swap3A_99 = vector.shape_cast %get3A_94 : vector<16xi32> to vector<1x16xi32>
        tpu.vector_store %arg5[%swap3A_95, %swap3A_96], %swap3A_99 {strides = array<i32>} : memref<78x128xi32, #tpu.memory_space<vmem>>, vector<1x16xi32>,
        %mul3A_100 = arith.constant 128 : i32
        %mul3A_101 = arith.muli %scan3A_45, %mul3A_100 : i32
        %add3A_102 = arith.constant 64 : i32
        %add3A_103 = arith.addi %mul3A_101, %add3A_102 : i32
        %get3A_104 = arith.constant 1 : i32
        %get3A_105 = arith.index_cast %get3A_104 : i32 to index
        %get3A_106 = arith.index_cast %add3A_103 : i32 to index
        %get3A_107 = tpu.vector_load %arg4[%get3A_105, %get3A_106] {strides = array<i32>} : memref<2x9984xi32, #tpu.memory_space<vmem>>, vector<1x16xi32>,
        %get3A_108 = vector.shape_cast %get3A_107 : vector<1x16xi32> to vector<16xi32>
        %swap3A_109 = arith.index_cast %scan3A_45 : i32 to index
        %swap3A_110 = arith.constant 64 : index
        %swap3A_111 = tpu.vector_load %arg5[%swap3A_109, %swap3A_110] {strides = array<i32>} : memref<78x128xi32, #tpu.memory_space<vmem>>, vector<1x16xi32>,
        %swap3A_112 = vector.shape_cast %swap3A_111 : vector<1x16xi32> to vector<16xi32>
        %swap3A_113 = vector.shape_cast %get3A_108 : vector<16xi32> to vector<1x16xi32>
        tpu.vector_store %arg5[%swap3A_109, %swap3A_110], %swap3A_113 {strides = array<i32>} : memref<78x128xi32, #tpu.memory_space<vmem>>, vector<1x16xi32>,
        %mul3A_114 = arith.constant 128 : i32
        %mul3A_115 = arith.muli %scan3A_45, %mul3A_114 : i32
        %add3A_116 = arith.constant 80 : i32
        %add3A_117 = arith.addi %mul3A_115, %add3A_116 : i32
        %get3A_118 = arith.constant 1 : i32
        %get3A_119 = arith.index_cast %get3A_118 : i32 to index
        %get3A_120 = arith.index_cast %add3A_117 : i32 to index
        %get3A_121 = tpu.vector_load %arg4[%get3A_119, %get3A_120] {strides = array<i32>} : memref<2x9984xi32, #tpu.memory_space<vmem>>, vector<1x16xi32>,
        %get3A_122 = vector.shape_cast %get3A_121 : vector<1x16xi32> to vector<16xi32>
        %swap3A_123 = arith.index_cast %scan3A_45 : i32 to index
        %swap3A_124 = arith.constant 80 : index
        %swap3A_125 = tpu.vector_load %arg5[%swap3A_123, %swap3A_124] {strides = array<i32>} : memref<78x128xi32, #tpu.memory_space<vmem>>, vector<1x16xi32>,
        %swap3A_126 = vector.shape_cast %swap3A_125 : vector<1x16xi32> to vector<16xi32>
        %swap3A_127 = vector.shape_cast %get3A_122 : vector<16xi32> to vector<1x16xi32>
        tpu.vector_store %arg5[%swap3A_123, %swap3A_124], %swap3A_127 {strides = array<i32>} : memref<78x128xi32, #tpu.memory_space<vmem>>, vector<1x16xi32>,
        %mul3A_128 = arith.constant 128 : i32
        %mul3A_129 = arith.muli %scan3A_45, %mul3A_128 : i32
        %add3A_130 = arith.constant 96 : i32
        %add3A_131 = arith.addi %mul3A_129, %add3A_130 : i32
        %get3A_132 = arith.constant 1 : i32
        %get3A_133 = arith.index_cast %get3A_132 : i32 to index
        %get3A_134 = arith.index_cast %add3A_131 : i32 to index
        %get3A_135 = tpu.vector_load %arg4[%get3A_133, %get3A_134] {strides = array<i32>} : memref<2x9984xi32, #tpu.memory_space<vmem>>, vector<1x16xi32>,
        %get3A_136 = vector.shape_cast %get3A_135 : vector<1x16xi32> to vector<16xi32>
        %swap3A_137 = arith.index_cast %scan3A_45 : i32 to index
        %swap3A_138 = arith.constant 96 : index
        %swap3A_139 = tpu.vector_load %arg5[%swap3A_137, %swap3A_138] {strides = array<i32>} : memref<78x128xi32, #tpu.memory_space<vmem>>, vector<1x16xi32>,
        %swap3A_140 = vector.shape_cast %swap3A_139 : vector<1x16xi32> to vector<16xi32>
        %swap3A_141 = vector.shape_cast %get3A_136 : vector<16xi32> to vector<1x16xi32>
        tpu.vector_store %arg5[%swap3A_137, %swap3A_138], %swap3A_141 {strides = array<i32>} : memref<78x128xi32, #tpu.memory_space<vmem>>, vector<1x16xi32>,
        %mul3A_142 = arith.constant 128 : i32
        %mul3A_143 = arith.muli %scan3A_45, %mul3A_142 : i32
        %add3A_144 = arith.constant 112 : i32
        %add3A_145 = arith.addi %mul3A_143, %add3A_144 : i32
        %get3A_146 = arith.constant 1 : i32
        %get3A_147 = arith.index_cast %get3A_146 : i32 to index
        %get3A_148 = arith.index_cast %add3A_145 : i32 to index
        %get3A_149 = tpu.vector_load %arg4[%get3A_147, %get3A_148] {strides = array<i32>} : memref<2x9984xi32, #tpu.memory_space<vmem>>, vector<1x16xi32>,
        %get3A_150 = vector.shape_cast %get3A_149 : vector<1x16xi32> to vector<16xi32>
        %swap3A_151 = arith.index_cast %scan3A_45 : i32 to index
        %swap3A_152 = arith.constant 112 : index
        %swap3A_153 = tpu.vector_load %arg5[%swap3A_151, %swap3A_152] {strides = array<i32>} : memref<78x128xi32, #tpu.memory_space<vmem>>, vector<1x16xi32>,
        %swap3A_154 = vector.shape_cast %swap3A_153 : vector<1x16xi32> to vector<16xi32>
        %swap3A_155 = vector.shape_cast %get3A_150 : vector<16xi32> to vector<1x16xi32>
        tpu.vector_store %arg5[%swap3A_151, %swap3A_152], %swap3A_155 {strides = array<i32>} : memref<78x128xi32, #tpu.memory_space<vmem>>, vector<1x16xi32>,
      }
      %scan3A_43 = arith.constant 2 : i32
      %run_scoped3A = arith.constant 0 : i32
      "tpu.region"() ({
        %run_scoped3A_45 = tpu.sem_alloc : memref<!tpu.dma_semaphore, #tpu.memory_space<semaphore_mem>>
        %dma_start3A = arith.constant 0 : i32
        %dma_start3A_46 = tpu.memref_slice %arg6[%dma_start3A] : memref<640xf32, #tpu.memory_space<vmem>> -> memref<128xf32, #tpu.memory_space<vmem>>
        %dma_start3A_47 = arith.constant 0 : i32
        %dma_start3A_48 = tpu.memref_slice %arg5[%run_scoped3A, %dma_start3A_47] : memref<78x128xi32, #tpu.memory_space<vmem>> -> memref<1x128xi32, #tpu.memory_space<vmem>>
        %dma_start3A_49 = tpu.memref_squeeze %dma_start3A_48 : memref<1x128xi32, #tpu.memory_space<vmem>> -> memref<128xi32, #tpu.memory_space<vmem>>
        %dma_start3A_50 = arith.constant 0 : i32
        %dma_start3A_51 = tpu.memref_slice %arg7[%dma_start3A_50] : memref<10240xf32, #tpu.memory_space<vmem_shared>> -> memref<10240xf32, #tpu.memory_space<vmem_shared>>
        tpu.enqueue_indirect_dma source(%dma_start3A_46 : memref<128xf32, #tpu.memory_space<vmem>>) target(%dma_start3A_51 : memref<10240xf32, #tpu.memory_space<vmem_shared>>) offsets(%dma_start3A_49 : memref<128xi32, #tpu.memory_space<vmem>>) semaphore(%run_scoped3A_45 : memref<!tpu.dma_semaphore, #tpu.memory_space<semaphore_mem>>) {add = true}
        %dma_wait3A = arith.constant 0 : i32
        %dma_wait3A_52 = tpu.memref_slice %arg6[%dma_wait3A] : memref<640xf32, #tpu.memory_space<vmem>> -> memref<128xf32, #tpu.memory_space<vmem>>
        %dma_wait3A_53 = arith.constant 0 : i32
        %dma_wait3A_54 = tpu.memref_slice %arg5[%run_scoped3A, %dma_wait3A_53] : memref<78x128xi32, #tpu.memory_space<vmem>> -> memref<1x128xi32, #tpu.memory_space<vmem>>
        %dma_wait3A_55 = tpu.memref_squeeze %dma_wait3A_54 : memref<1x128xi32, #tpu.memory_space<vmem>> -> memref<128xi32, #tpu.memory_space<vmem>>
        %dma_wait3A_56 = arith.constant 0 : i32
        %dma_wait3A_57 = tpu.memref_slice %arg7[%dma_wait3A_56] : memref<10240xf32, #tpu.memory_space<vmem_shared>> -> memref<10240xf32, #tpu.memory_space<vmem_shared>>
        tpu.wait_indirect_dma semaphore(%run_scoped3A_45 : memref<!tpu.dma_semaphore, #tpu.memory_space<semaphore_mem>>) src(%dma_wait3A_52 : memref<128xf32, #tpu.memory_space<vmem>>) dst(%dma_wait3A_57 : memref<10240xf32, #tpu.memory_space<vmem_shared>>)
        tpu.yield
      }) : () -> ()
      %run_scoped3A_44 = arith.constant 1 : i32
      "tpu.region"() ({
        %run_scoped3A_45 = tpu.sem_alloc : memref<!tpu.dma_semaphore, #tpu.memory_space<semaphore_mem>>
        %dma_start3A = arith.constant 0 : i32
        %dma_start3A_46 = tpu.memref_slice %arg6[%dma_start3A] : memref<640xf32, #tpu.memory_space<vmem>> -> memref<128xf32, #tpu.memory_space<vmem>>
        %dma_start3A_47 = arith.constant 0 : i32
        %dma_start3A_48 = tpu.memref_slice %arg5[%run_scoped3A_44, %dma_start3A_47] : memref<78x128xi32, #tpu.memory_space<vmem>> -> memref<1x128xi32, #tpu.memory_space<vmem>>
        %dma_start3A_49 = tpu.memref_squeeze %dma_start3A_48 : memref<1x128xi32, #tpu.memory_space<vmem>> -> memref<128xi32, #tpu.memory_space<vmem>>
        %dma_start3A_50 = arith.constant 0 : i32
        %dma_start3A_51 = tpu.memref_slice %arg7[%dma_start3A_50] : memref<10240xf32, #tpu.memory_space<vmem_shared>> -> memref<10240xf32, #tpu.memory_space<vmem_shared>>
        tpu.enqueue_indirect_dma source(%dma_start3A_46 : memref<128xf32, #tpu.memory_space<vmem>>) target(%dma_start3A_51 : memref<10240xf32, #tpu.memory_space<vmem_shared>>) offsets(%dma_start3A_49 : memref<128xi32, #tpu.memory_space<vmem>>) semaphore(%run_scoped3A_45 : memref<!tpu.dma_semaphore, #tpu.memory_space<semaphore_mem>>) {add = true}
        %dma_wait3A = arith.constant 0 : i32
        %dma_wait3A_52 = tpu.memref_slice %arg6[%dma_wait3A] : memref<640xf32, #tpu.memory_space<vmem>> -> memref<128xf32, #tpu.memory_space<vmem>>
        %dma_wait3A_53 = arith.constant 0 : i32
        %dma_wait3A_54 = tpu.memref_slice %arg5[%run_scoped3A_44, %dma_wait3A_53] : memref<78x128xi32, #tpu.memory_space<vmem>> -> memref<1x128xi32, #tpu.memory_space<vmem>>
        %dma_wait3A_55 = tpu.memref_squeeze %dma_wait3A_54 : memref<1x128xi32, #tpu.memory_space<vmem>> -> memref<128xi32, #tpu.memory_space<vmem>>
        %dma_wait3A_56 = arith.constant 0 : i32
        %dma_wait3A_57 = tpu.memref_slice %arg7[%dma_wait3A_56] : memref<10240xf32, #tpu.memory_space<vmem_shared>> -> memref<10240xf32, #tpu.memory_space<vmem_shared>>
        tpu.wait_indirect_dma semaphore(%run_scoped3A_45 : memref<!tpu.dma_semaphore, #tpu.memory_space<semaphore_mem>>) src(%dma_wait3A_52 : memref<128xf32, #tpu.memory_space<vmem>>) dst(%dma_wait3A_57 : memref<10240xf32, #tpu.memory_space<vmem_shared>>)
        tpu.yield
      }) : () -> ()
    } else {
    }
    %barrier3A_28 = arith.constant 0 : index
    tpu.barrier barrier_id(%barrier3A_28)
    %mul3A_29 = arith.constant 640 : i32
    %mul3A_30 = arith.muli %arg1, %mul3A_29 : i32
    %mul3A_31 = arith.constant 640 : i32
    %mul3A_32 = arith.muli %arg1, %mul3A_31 : i32
    "tpu.region"() ({
      %run_scoped3A = tpu.sem_alloc : memref<!tpu.dma_semaphore, #tpu.memory_space<semaphore_mem>>
      %dma_start3A = tpu.memref_slice %arg3[%arg0, %mul3A_32] : memref<2x10240xf32, #tpu.memory_space<hbm>> -> memref<1x640xf32, #tpu.memory_space<hbm>>
      %dma_start3A_33 = tpu.memref_squeeze %dma_start3A : memref<1x640xf32, #tpu.memory_space<hbm>> -> memref<640xf32, #tpu.memory_space<hbm>>
      %dma_start3A_34 = tpu.memref_slice %arg7[%mul3A_30] : memref<10240xf32, #tpu.memory_space<vmem_shared>> -> memref<640xf32, #tpu.memory_space<vmem_shared>>
      tpu.enqueue_dma source(%dma_start3A_34 : memref<640xf32, #tpu.memory_space<vmem_shared>>) target(%dma_start3A_33 : memref<640xf32, #tpu.memory_space<hbm>>) target_semaphore(%run_scoped3A : memref<!tpu.dma_semaphore, #tpu.memory_space<semaphore_mem>>)
      %dma_wait3A = tpu.memref_slice %arg3[%arg0, %mul3A_32] : memref<2x10240xf32, #tpu.memory_space<hbm>> -> memref<1x640xf32, #tpu.memory_space<hbm>>
      %dma_wait3A_35 = tpu.memref_squeeze %dma_wait3A : memref<1x640xf32, #tpu.memory_space<hbm>> -> memref<640xf32, #tpu.memory_space<hbm>>
      %dma_wait3A_36 = tpu.memref_slice %arg7[%mul3A_30] : memref<10240xf32, #tpu.memory_space<vmem_shared>> -> memref<640xf32, #tpu.memory_space<vmem_shared>>
      tpu.wait_dma2 semaphore(%run_scoped3A : memref<!tpu.dma_semaphore, #tpu.memory_space<semaphore_mem>>) src(%dma_wait3A_36 : memref<640xf32, #tpu.memory_space<vmem_shared>>) dst(%dma_wait3A_35 : memref<640xf32, #tpu.memory_space<hbm>>)
      tpu.yield
    }) : () -> ()
    return
  }
}

module attributes {stable_mosaic.version = 14 : i64} {
  func.func @_mm_body(%arg0: i32, %arg1: memref<2048x128xf32, #tpu.memory_space<vmem>>, %arg2: memref<128x128xf32, #tpu.memory_space<vmem>>, %arg3: memref<2x2048xf32, #tpu.memory_space<vmem>>, %arg4: memref<2048x128xf32, #tpu.memory_space<vmem>>) attributes {dimension_semantics = [#tpu.dimension_semantics<arbitrary>], iteration_bounds = array<i64: 5>, scalar_prefetch = 0 : i64, scratch_operands = 0 : i64, tpu.core_type = #tpu.core_type<tc>, window_params = [{transform_indices = @transform_0, window_bounds = array<i64: 2048, 128>}, {pipeline_mode = #tpu.pipeline_mode<synchronous>, transform_indices = @transform_1, window_bounds = array<i64: 128, 128>}, {transform_indices = @transform_2, window_bounds = array<i64: 2, 2048>}, {transform_indices = @transform_3, window_bounds = array<i64: 2048, 128>}]} {
    %get3A = arith.constant 0 : index
    %get3A_0 = arith.constant 0 : index
    %get3A_1 = vector.load %arg3[%get3A, %get3A_0] : memref<2x2048xf32, #tpu.memory_space<vmem>>, vector<1x2048xf32>
    %get3A_2 = vector.shape_cast %get3A_1 : vector<1x2048xf32> to vector<2048xf32>
    %get3A_3 = arith.constant 1 : index
    %get3A_4 = arith.constant 0 : index
    %get3A_5 = vector.load %arg3[%get3A_3, %get3A_4] : memref<2x2048xf32, #tpu.memory_space<vmem>>, vector<1x2048xf32>
    %get3A_6 = vector.shape_cast %get3A_5 : vector<1x2048xf32> to vector<2048xf32>
    %add3A = arith.addf %get3A_2, %get3A_6 : vector<2048xf32>
    %max3A = arith.constant 1.000000e+00 : f32
    %max3A_7 = vector.broadcast %max3A : f32 to vector<2048xf32>
    %max3A_8 = arith.maximumf %add3A, %max3A_7 : vector<2048xf32>
    %rsqrt3A = math.rsqrt %max3A_8 : vector<2048xf32>
    %get3A_9 = arith.constant 0 : index
    %get3A_10 = arith.constant 0 : index
    %get3A_11 = vector.load %arg1[%get3A_9, %get3A_10] : memref<2048x128xf32, #tpu.memory_space<vmem>>, vector<2048x128xf32>
    %get3A_12 = arith.constant 0 : index
    %get3A_13 = arith.constant 0 : index
    %get3A_14 = vector.load %arg2[%get3A_12, %get3A_13] : memref<128x128xf32, #tpu.memory_space<vmem>>, vector<128x128xf32>
    %dot_general3A = arith.constant dense<0.000000e+00> : vector<2048x128xf32>
    %dot_general3A_15 = tpu.matmul %get3A_11, %get3A_14, %dot_general3A {dimension_numbers = #tpu.dot_dimension_numbers<[1], [0], [0], [1], [0, 0, 1, 1], [], []>, transpose_lhs_hint = false} : vector<2048x128xf32>, vector<128x128xf32>, vector<2048x128xf32> -> vector<2048x128xf32>
    %broadcast_in_dim3A = vector.shape_cast %rsqrt3A : vector<2048xf32> to vector<2048x1xf32>
    %mul3A = vector.broadcast %broadcast_in_dim3A : vector<2048x1xf32> to vector<2048x128xf32>
    %mul3A_16 = arith.mulf %dot_general3A_15, %mul3A : vector<2048x128xf32>
    %swap3A = arith.constant 0 : index
    %swap3A_17 = arith.constant 0 : index
    %swap3A_18 = vector.load %arg4[%swap3A, %swap3A_17] : memref<2048x128xf32, #tpu.memory_space<vmem>>, vector<2048x128xf32>
    tpu.vector_store %arg4[%swap3A, %swap3A_17], %mul3A_16 {strides = array<i32>} : memref<2048x128xf32, #tpu.memory_space<vmem>>, vector<2048x128xf32>,
    return
  }
  func.func @transform_0(%arg0: i32) -> (i32, i32) {
    %c0_i32 = arith.constant 0 : i32
    %c0_i32_0 = arith.constant 0 : i32
    return %arg0, %c0_i32 : i32, i32
  }
  func.func @transform_1(%arg0: i32) -> (i32, i32) {
    %c0_i32 = arith.constant 0 : i32
    %c0_i32_0 = arith.constant 0 : i32
    %c0_i32_1 = arith.constant 0 : i32
    return %c0_i32, %c0_i32_0 : i32, i32
  }
  func.func @transform_2(%arg0: i32) -> (i32, i32) {
    %c0_i32 = arith.constant 0 : i32
    %c0_i32_0 = arith.constant 0 : i32
    return %c0_i32, %arg0 : i32, i32
  }
  func.func @transform_3(%arg0: i32) -> (i32, i32) {
    %c0_i32 = arith.constant 0 : i32
    %c0_i32_0 = arith.constant 0 : i32
    return %arg0, %c0_i32 : i32, i32
  }
}

module attributes {stable_mosaic.version = 14 : i64} {
  func.func @_fin_body(%arg0: i32, %arg1: memref<2x2048x128xf32, #tpu.memory_space<vmem>>, %arg2: memref<2x2048xf32, #tpu.memory_space<vmem>>, %arg3: memref<128xf32, #tpu.memory_space<vmem>>, %arg4: memref<2048x128xf32, #tpu.memory_space<vmem>>) attributes {dimension_semantics = [#tpu.dimension_semantics<arbitrary>], iteration_bounds = array<i64: 5>, scalar_prefetch = 0 : i64, scratch_operands = 0 : i64, tpu.core_type = #tpu.core_type<tc>, window_params = [{transform_indices = @transform_0, window_bounds = array<i64: 2, 2048, 128>}, {transform_indices = @transform_1, window_bounds = array<i64: 2, 2048>}, {pipeline_mode = #tpu.pipeline_mode<synchronous>, transform_indices = @transform_2, window_bounds = array<i64: 128>}, {transform_indices = @transform_3, window_bounds = array<i64: 2048, 128>}]} {
    %get3A = arith.constant 0 : index
    %get3A_0 = arith.constant 0 : index
    %get3A_1 = vector.load %arg2[%get3A, %get3A_0] : memref<2x2048xf32, #tpu.memory_space<vmem>>, vector<1x2048xf32>
    %get3A_2 = vector.shape_cast %get3A_1 : vector<1x2048xf32> to vector<2048xf32>
    %get3A_3 = arith.constant 1 : index
    %get3A_4 = arith.constant 0 : index
    %get3A_5 = vector.load %arg2[%get3A_3, %get3A_4] : memref<2x2048xf32, #tpu.memory_space<vmem>>, vector<1x2048xf32>
    %get3A_6 = vector.shape_cast %get3A_5 : vector<1x2048xf32> to vector<2048xf32>
    %add3A = arith.addf %get3A_2, %get3A_6 : vector<2048xf32>
    %max3A = arith.constant 1.000000e+00 : f32
    %max3A_7 = vector.broadcast %max3A : f32 to vector<2048xf32>
    %max3A_8 = arith.maximumf %add3A, %max3A_7 : vector<2048xf32>
    %rsqrt3A = math.rsqrt %max3A_8 : vector<2048xf32>
    %get3A_9 = arith.constant 0 : index
    %get3A_10 = arith.constant 0 : index
    %get3A_11 = arith.constant 0 : index
    %get3A_12 = vector.load %arg1[%get3A_9, %get3A_10, %get3A_11] : memref<2x2048x128xf32, #tpu.memory_space<vmem>>, vector<1x2048x128xf32>
    %get3A_13 = vector.shape_cast %get3A_12 : vector<1x2048x128xf32> to vector<2048x128xf32>
    %get3A_14 = arith.constant 1 : index
    %get3A_15 = arith.constant 0 : index
    %get3A_16 = arith.constant 0 : index
    %get3A_17 = vector.load %arg1[%get3A_14, %get3A_15, %get3A_16] : memref<2x2048x128xf32, #tpu.memory_space<vmem>>, vector<1x2048x128xf32>
    %get3A_18 = vector.shape_cast %get3A_17 : vector<1x2048x128xf32> to vector<2048x128xf32>
    %add3A_19 = arith.addf %get3A_13, %get3A_18 : vector<2048x128xf32>
    %broadcast_in_dim3A = vector.shape_cast %rsqrt3A : vector<2048xf32> to vector<2048x1xf32>
    %mul3A = vector.broadcast %broadcast_in_dim3A : vector<2048x1xf32> to vector<2048x128xf32>
    %mul3A_20 = arith.mulf %add3A_19, %mul3A : vector<2048x128xf32>
    %get3A_21 = arith.constant 0 : index
    %get3A_22 = vector.load %arg3[%get3A_21] : memref<128xf32, #tpu.memory_space<vmem>>, vector<128xf32>
    %broadcast_in_dim3A_23 = vector.shape_cast %get3A_22 : vector<128xf32> to vector<1x128xf32>
    %add3A_24 = vector.broadcast %broadcast_in_dim3A_23 : vector<1x128xf32> to vector<2048x128xf32>
    %add3A_25 = arith.addf %mul3A_20, %add3A_24 : vector<2048x128xf32>
    %max3A_26 = arith.constant 0.000000e+00 : f32
    %max3A_27 = vector.broadcast %max3A_26 : f32 to vector<2048x128xf32>
    %max3A_28 = arith.maximumf %add3A_25, %max3A_27 : vector<2048x128xf32>
    %swap3A = arith.constant 0 : index
    %swap3A_29 = arith.constant 0 : index
    %swap3A_30 = vector.load %arg4[%swap3A, %swap3A_29] : memref<2048x128xf32, #tpu.memory_space<vmem>>, vector<2048x128xf32>
    tpu.vector_store %arg4[%swap3A, %swap3A_29], %max3A_28 {strides = array<i32>} : memref<2048x128xf32, #tpu.memory_space<vmem>>, vector<2048x128xf32>,
    return
  }
  func.func @transform_0(%arg0: i32) -> (i32, i32, i32) {
    %c0_i32 = arith.constant 0 : i32
    %c0_i32_0 = arith.constant 0 : i32
    %c0_i32_1 = arith.constant 0 : i32
    return %c0_i32, %arg0, %c0_i32_0 : i32, i32, i32
  }
  func.func @transform_1(%arg0: i32) -> (i32, i32) {
    %c0_i32 = arith.constant 0 : i32
    %c0_i32_0 = arith.constant 0 : i32
    return %c0_i32, %arg0 : i32, i32
  }
  func.func @transform_2(%arg0: i32) -> i32 {
    %c0_i32 = arith.constant 0 : i32
    %c0_i32_0 = arith.constant 0 : i32
    return %c0_i32 : i32
  }
  func.func @transform_3(%arg0: i32) -> (i32, i32) {
    %c0_i32 = arith.constant 0 : i32
    %c0_i32_0 = arith.constant 0 : i32
    return %arg0, %c0_i32 : i32, i32
  }
}

</mosaic_0001>

<sc_bundles>
// kernel: kernel.6.cloned.1.call-start
scs
__scs_entry_jumppad:
0x0: {  	(pc) =	sbr.rel $0x88, $3  }
0x1: {  	(tag) =	ssettag $0x0;
	lr =	simm.s32 $0x1  }
0x2: {  	[smem:$0x3F9D] =	sst lr;
	_ =	strace $0xD0000000  }
0x3: {  	_ = 	snop  }
0x4: {  	_ = 	snop  }
0x5: {  	_ = 	snop  }
0x6: {  	_ = 	snop  }
0x7: {  	_ = 	snop  }
__scs_overlays_trampoline_lowered:
0x8: {  	[smem:$0x3FAC] =	sst s0  }
0x9: {  	[smem:$0x3FAD] =	sst s1  }
0xa: {  	[smem:$0x3FAE] =	sst s2  }
0xb: {  	[smem:$0x3FAF] =	sst s3  }
0xc: {  	[smem:$0x3FB0] =	sst s4  }
0xd: {  	[smem:$0x3FB1] =	sst s5  }
0xe: {  	[smem:$0x3FB2] =	sst s6  }
0xf: {  	[smem:$0x3FB3] =	sst s7  }
0x10: {  	[smem:$0x3FB4] =	sst s8  }
0x11: {  	[smem:$0x3FB5] =	sst s9;
	s0 =	simm.s32 @!p0 $0x0  }
0x12: {  	s1 =	sld [smem:$0x3F9B];
	s0 =	simm.s32 @p0 $0x1  }
0x13: {  	[smem:$0x3FB6] =	sst s0;
	s0 =	simm.s32 @!p1 $0x0  }
0x14: {  	s2 =	sld [smem:$0x3F9A];
	s0 =	simm.s32 @p1 $0x1  }
0x15: {  	[smem:$0x3FB7] =	sst s0;
	s0 =	simm.s32 @!p2 $0x0  }
0x16: {  	s3 =	sld [smem:$0x3FDB];
	s0 =	simm.s32 @p2 $0x1  }
0x17: {  	s4 =	simm.s32 $0x1BF5;
	[smem:$0x3FB9] =	sst s0  }
0x18: {  	s0 =	sld [smem:$0x3F9C];
	_ =	swait.ge [sflag:s4], $0x0  }
0x19: {  	s7 =	sld [smem:$0x3F9D]  }
0x1a: {  	s8 =	sadd.s32 $0xFFFFE003, lr  }
0x1b: {  	s9 =	sadd.s32 $0xFFFFFEF7, lr;
	s5 =	simm.s32 $0xFFFFFFFF;
	p2 =	slt.u32 s8, $0xFFFFF086  }
0x1c: {  	p1 =	slt.u32 s9, $0xF7A;
	s5 =	simm.s32 @!p2 $0x0  }
0x1d: {  	s5 =	simm.s32 @p1 $0x1;
	p0 =	seq.s32 s7, s2  }
0x1e: {  	s7 =	smul.u32 @!p0 $0xF7A, s2;
	p2 =	seq.s32 @!p0 s5, $0x0  }
0x1f: {  	s9 =	smul.u32 $0xF7A, s1;
	s8 =	simm.s32 @!p0 $0x1BF5;
	p2 =	por !p2, p0  }
0x20: {  	[sflag:s8] =	ssyncset.s32 @!p0 $0xFFFFF086;
	s6 =	sadd.s32 @!p0 s3, s7;
	s7 =	simm.s32 @!p0 $0x108  }
0x21: {  	s3 =	sadd.s32 s3, s9;
	s6 =	sadd.s32 @!p0 $0x88, s6;
	s7 =	simm.s32 @p2 $0x1082  }
0x22: {  	[simem:s7], [sflag:s8] =	dma.local @!p0 [hbm:s6], $0xF7A  }
0x23: {  	s9 =	sor.u32 $0xD0000000, s2;
	s6 =	simm.s32 $0x108;
	_ =	swait.ge @!p0 [sflag:s8], $0x0  }
0x24: {  	s3 =	sadd.s32 $0x88, s3;
	s6 =	simm.s32 @!p1 $0x1082;
	[sflag:s4] =	ssyncset.s32 $0xFFFFF086  }
0x25: {  	[simem:s6], [sflag:s4] =	dma.local [hbm:s3], $0xF7A  }
0x26: {  	[smem:$0x3F9D] =	sst s1;
	(tag) =	ssettag s2;
	_ =	strace s9  }
0x27: {  	s1 =	sld [smem:$0x3FAD]  }
0x28: {  	s2 =	sld [smem:$0x3FAE]  }
0x29: {  	s4 =	sld [smem:$0x3FB0]  }
0x2a: {  	p0 =	seq.s32 s5, $0x0;
	s5 =	sld [smem:$0x3FB1]  }
0x2b: {  	s6 =	sld [smem:$0x3FB2]  }
0x2c: {  	s7 =	sld [smem:$0x3FB3]  }
0x2d: {  	s3 =	simm.s32 $0x108;
	s8 =	sld [smem:$0x3FB4]  }
0x2e: {  	s3 =	simm.s32 @!p0 $0x1082;
	s9 =	sld [smem:$0x3FB5]  }
0x2f: {  	lr =	sadd.s32 s0, s3;
	s0 =	sld [smem:$0x3FAC]  }
0x30: {  	s3 =	sld [smem:$0x3FAF]  }
0x31: {  	[smem:$0x3FB8] =	sst s10  }
0x32: {  	s10 =	sld [smem:$0x3FB6];
	_ =	sdelay $0x3  }
0x33: {  	p0 =	seq.s32 s10, $0x1;
	s10 =	sld [smem:$0x3FB8];
	_ =	sdelay $0x3  }
0x34: {  	[smem:$0x3FB8] =	sst s10  }
0x35: {  	s10 =	sld [smem:$0x3FB7];
	_ =	sdelay $0x3  }
0x36: {  	p1 =	seq.s32 s10, $0x1;
	s10 =	sld [smem:$0x3FB8];
	_ =	sdelay $0x3  }
0x37: {  	[smem:$0x3FB8] =	sst s10  }
0x38: {  	s10 =	sld [smem:$0x3FB9]  }
0x39: {  	_ = 	snop;
	(pc) =	sbr.ind lr, $3  }
0x3a: {  	_ = 	snop  }
0x3b: {  	_ = 	snop  }
0x3c: {  	p2 =	seq.s32 s10, $0x1;
	s10 =	sld [smem:$0x3FB8]  }
0x3d: {  	_ =	shalt  }
0x3e: {  	_ =	shalt  }
0x3f: {  	_ =	shalt  }
0x40: {  	_ =	shalt  }
0x41: {  	_ =	shalt  }
0x42: {  	_ =	shalt  }
0x43: {  	_ =	shalt  }
0x44: {  	_ =	shalt  }
0x45: {  	_ =	shalt  }
0x46: {  	_ =	shalt  }
0x47: {  	_ =	shalt  }
0x48: {  	_ =	shalt  }
0x49: {  	_ =	shalt  }
0x4a: {  	_ =	shalt  }
0x4b: {  	_ =	shalt  }
0x4c: {  	_ =	shalt  }
0x4d: {  	_ =	shalt  }
0x4e: {  	_ =	shalt  }
0x4f: {  	_ =	shalt  }
0x50: {  	_ =	shalt  }
0x51: {  	_ =	shalt  }
0x52: {  	_ =	shalt  }
0x53: {  	_ =	shalt  }
0x54: {  	_ =	shalt  }
0x55: {  	_ =	shalt  }
0x56: {  	_ =	shalt  }
0x57: {  	_ =	shalt  }
0x58: {  	_ =	shalt  }
0x59: {  	_ =	shalt  }
0x5a: {  	_ =	shalt  }
0x5b: {  	_ =	shalt  }
0x5c: {  	_ =	shalt  }
0x5d: {  	_ =	shalt  }
0x5e: {  	_ =	shalt  }
0x5f: {  	_ =	shalt  }
0x60: {  	_ =	shalt  }
0x61: {  	_ =	shalt  }
0x62: {  	_ =	shalt  }
0x63: {  	_ =	shalt  }
0x64: {  	_ =	shalt  }
0x65: {  	_ =	shalt  }
0x66: {  	_ =	shalt  }
0x67: {  	_ =	shalt  }
0x68: {  	_ =	shalt  }
0x69: {  	_ =	shalt  }
0x6a: {  	_ =	shalt  }
0x6b: {  	_ =	shalt  }
0x6c: {  	_ =	shalt  }
0x6d: {  	_ =	shalt  }
0x6e: {  	_ =	shalt  }
0x6f: {  	_ =	shalt  }
0x70: {  	_ =	shalt  }
0x71: {  	_ =	shalt  }
0x72: {  	_ =	shalt  }
0x73: {  	_ =	shalt  }
0x74: {  	_ =	shalt  }
0x75: {  	_ =	shalt  }
0x76: {  	_ =	shalt  }
0x77: {  	_ =	shalt  }
0x78: {  	_ =	shalt  }
0x79: {  	_ =	shalt  }
0x7a: {  	_ =	shalt  }
0x7b: {  	_ =	shalt  }
0x7c: {  	_ =	shalt  }
0x7d: {  	_ =	shalt  }
0x7e: {  	_ =	shalt  }
0x7f: {  	_ =	shalt  }
0x80: {  	_ =	shalt  }
0x81: {  	_ =	shalt  }
0x82: {  	_ =	shalt  }
0x83: {  	_ =	shalt  }
0x84: {  	_ =	shalt  }
0x85: {  	_ =	shalt  }
0x86: {  	_ =	shalt  }
0x87: {  	_ =	shalt  }
.Lfunc_end0:
.L_simem_size_0:
called_computation_lowered:
.L_overlay_start_0:
0x88: {  	s2 =	sld [smem:$0x3FD9]  }
0x89: {  	s3 =	sld [smem:$0x3FFE];
	_ =	sdelay $0x1  }
0x8a: {  	s1 =	srdreg.scid  }
0x8b: {  	s0 =	sand.u32 $0x1, s1  }
0x8c: {  	s18 =	sshll.u32 s0, $0xA;
	s2 =	sadd.s32 s3, s2  }
0x8d: {  	s2 =	sadd.s32 s2, s18  }
0x8e: {  	[smem:$0x3FC4] =	sst s2  }
0x8f: {  	_ = 	snop  }
0x90: {  	s2 =	sld [smem:$0x3FC8]  }
0x91: {  	s19 =	sld [smem:$0x3FD0];
	(tm) =	ssettm $0x1  }
0x92: {  	s4 =	sld [smem:$0x3FFB];
	_ =	sdelay $0x3  }
0x93: {  	_ =	strace s4  }
0x94: {  	s4 =	sld [smem:$0x3FFC];
	_ =	sdelay $0x3  }
0x95: {  	_ =	strace s4  }
0x96: {  	s4 =	sld [smem:$0x3FFD];
	_ =	sdelay $0x3  }
0x97: {  	_ =	strace s4  }
0x98: {  	_ =	strace $0x8FFFFFFF  }
0x99: {  	s20 =	sld [smem:$0x3FDB];
	_ =	sdelay $0x1  }
0x9a: {  	s5 =	simm.s32 $_scs_section_size  }
0x9b: {  	s6 =	simm.s32 $_size__tile_overlayer_lowered;
	s7 =	simm.s32 $_tile_overlayer_lowered  }
0x9c: {  	s23 =	simm.s32 $0x1BFF;
	s22 =	sshll.u32 s7, $0x1;
	s4 =	sadd.s32 s5, s20  }
0x9d: {  	s8 =	simm.s32 $0x0;
	s21 =	sshll.u32 s6, $0x1;
	s6 =	sadd.s32 s22, s4  }
0x9e: {  	[timem:s8], [sflag:s23] =	dma.local [hbm:s6], s21  }
0x9f: {  	_ =	swait.ge [sflag:s23], s21  }
0xa0: {  	s5 =	ssub.s32 $0x0, s21;
	[sflag:s23] =	ssyncset.done $0x0  }
0xa1: {  	[sflag:s23] =	ssyncadd.s32 s5;
	_ =	sdelay $0x1  }
0xa2: {  	s24 =	simm.s32 $0x1B8B  }
0xa3: {  	_ =	swait.ge [sflag:s24], $0x1  }
0xa4: {  	[sflag:s24] =	ssyncset.done $0x0  }
0xa5: {  	s25 =	simm.s32 $0x1B8E;
	[sflag:s24] =	ssyncadd.s32 $0xFFFFFFFF  }
0xa6: {  	s26 =	simm.s32 $execute0_lowered;
	[smem:$0x3FD2] =	sst s25  }
0xa7: {  	s5 =	sshll.u32 s26, $0x1;
	_ =	strace $0x80000046;
	[dreg:$0x1] =	wrdreg $0xFFFFFFFF  }
0xa8: {  	s28 =	simm.s32 $_size_execute0_lowered;
	s4 =	sadd.s32 s4, s5;
	[dreg:$0x0] =	wrdreg $0x0  }
0xa9: {  	s5 =	sshll.u32 s28, $0x1;
	[dreg:$0x2] =	wrdreg s4  }
0xaa: {  	[dreg:$0x3] =	wrdreg s5  }
0xab: {  	[dreg:$0x4] =	wrdreg $0xC0  }
0xac: {  	_ =	task [dreg:s8], $0x5FFFF  }
0xad: {  	[dreg:$0x1] =	wrdreg $0xFFFFFFFF  }
0xae: {  	[dreg:$0x0] =	wrdreg $0x60  }
0xaf: {  	[dreg:$0x2] =	wrdreg s2  }
0xb0: {  	[dreg:$0x3] =	wrdreg s19  }
0xb1: {  	[dreg:$0x4] =	wrdreg $0x78800  }
0xb2: {  	[dreg:$0x5] =	wrdreg $0x9  }
0xb3: {  	_ =	task.clear_ibuf [dreg:s8], $0x6FFFF;
	_ =	strace $0x90000046  }
0xb4: {  	s29 =	simm.s32 $0x9;
	_ =	strace $0x80000048  }
0xb5: {  	_ =	swait.ge [sflag:s29], $0x1  }
0xb6: {  	[sflag:s29] =	ssyncadd.s32 $0xFFFFFFFF  }
0xb7: {  	_ =	strace $0x90000048  }
0xb8: {  	_ =	sfence  }
0xb9: {  	s30 =	sld [smem:$0x0];
	_ =	sdelay $0x2  }
0xba: {  	s31 =	sshll.u32 s1, $0xD;
	s1 =	sshrl.u32 s1, $0x2  }
0xbb: {  	s3 =	sand.u32 $0x4000, s31;
	s1 =	sadd.s32 s1, s30  }
0xbc: {  	s0 =	sor.u32 s3, s0;
	s1 =	sshll.u32 s1, $0x11  }
0xbd: {  	s0 =	sor.u32 s1, s0  }
0xbe: {  	s0 =	sadd.s32 $0x8F2B, s0  }
0xbf: {  	[sflag:s0] =	ssyncadd.remote.s32 $0x1  }
0xc0: {  	_ =	sfence.sel $0xFFFF  }
0xc1: {  	[dreg:$0x0] =	wrdreg $0xFFFFFFFF;
	(pc) =	sbr.abs _section_cstart, $3  }
0xc2: {  	[dreg:$0x1] =	wrdreg $0xFFFFFFFF  }
0xc3: {  	_ =	task.clear_ibuf [dreg:s8], $0x2FFFF;
	_ =	strace $0x9FFFFFFF  }
0xc4: {  	(tm) =	ssettm $0x7FFFFFFF  }
0xc5: {  	_ =	shalt  }
tec
execute0_lowered:
.L_overlay_start_1:
0x0: {  	(tag) =	ssettag $0x1  }
0x1: {  	s4 =	rddreg [dreg:$0x0]  }
0x2: {  	s6 =	rddreg [dreg:$0x1]  }
0x3: {  	s1 =	rddreg [dreg:$0x2];
	s3 =	srdreg.scid  }
0x4: {  	s0 =	rddreg [dreg:$0x3];
	s2 =	simm.s32 $0x0;
	s12 =	stileid.u32  }
0x5: {  	s14 =	simm.s32 $0x20;
	s15 =	simm.s32 $0x10;
	s16 =	simm.s32 $0x0  }
0x6: {  	s3 =	sand.u32 $0x1, s3;
	[smem:$0x7FF] =	sst s2;
	s8 =	smul.u32 $0xA00, s12  }
0x7: {  	s9 =	smul.u32 $0x500, s12;
	s13 =	sshll.u32 s12, $0x6;
	p0 =	sne.s32 s12, $0x0  }
0x8: {  	s5 =	ssub.s32 $0x2, s3;
	_ =	strace $0x80000047;
	s30 =	sshll.u32 s3, $0x4  }
0x9: {  	s10 =	sshll.u32 s3, $0x7;
	s11 =	sshll.u32 s3, $0x6;
	s7 =	sshrl.u32 s5, $0x1  }
0xa: {  	s8 =	sshrl.u32 s8, $0x2;
	s9 =	sor.u32 s10, s9;
	s31 =	sadd.s32 s11, s4  }
0xb: {  	s10 =	simm.s32 $0x80;
	s11 =	simm.s32 $0x1;
	s7 =	ssub.s32 s5, s7  }
0xc: {  	s5 =	sor.u32 s12, s30;
	s3 =	sadd.s32 s8, s1;
	s9 =	sshrl.u32 s9, $0x3  }
0xd: {  	s8 =	simm.s32 $0x7600;
	s12 =	sor.u32 $0x1C02, s13;
	s5 =	smul.u32 $0x9C0, s5  }
0xe: {  	s6 =	sadd.s32 s6, s9;
	s7 =	smax.u32 s7, $0x1;
	s9 =	simm.s32 $0x2  }
0xf: {  	v0 =	vimm.f32 $0.0e+00;
	v1 =	vimm.f32 $1.000000000e+00;
	s13 =	sshrl.u32 s3, $0x3;
	s4 =	sadd.s32 s4, s5;
	s5 =	sadd.s32 $0x13800, s31  }
.LBB2_1:
0x10: {  	[tilespmem:$0x7600] =	vst v0  }
0x11: {  	[tilespmem:$0x7610] =	vst v0  }
0x12: {  	[tilespmem:$0x7620] =	vst v0  }
0x13: {  	[tilespmem:$0x7630] =	vst v0  }
0x14: {  	[tilespmem:$0x7640] =	vst v0  }
0x15: {  	[tilespmem:$0x7650] =	vst v0  }
0x16: {  	[tilespmem:$0x7660] =	vst v0  }
0x17: {  	[tilespmem:$0x7670] =	vst v0  }
0x18: {  	[tilespmem:$0x7680] =	vst v0  }
0x19: {  	[tilespmem:$0x7690] =	vst v0  }
0x1a: {  	[tilespmem:$0x76A0] =	vst v0  }
0x1b: {  	[tilespmem:$0x76B0] =	vst v0  }
0x1c: {  	[tilespmem:$0x76C0] =	vst v0  }
0x1d: {  	[tilespmem:$0x76D0] =	vst v0  }
0x1e: {  	[tilespmem:$0x76E0] =	vst v0  }
0x1f: {  	[tilespmem:$0x76F0] =	vst v0  }
0x20: {  	[tilespmem:$0x7700] =	vst v0  }
0x21: {  	[tilespmem:$0x7710] =	vst v0  }
0x22: {  	[tilespmem:$0x7720] =	vst v0  }
0x23: {  	[tilespmem:$0x7730] =	vst v0  }
0x24: {  	[tilespmem:$0x7740] =	vst v0  }
0x25: {  	[tilespmem:$0x7750] =	vst v0  }
0x26: {  	[tilespmem:$0x7760] =	vst v0  }
0x27: {  	[tilespmem:$0x7770] =	vst v0  }
0x28: {  	[tilespmem:$0x7780] =	vst v0  }
0x29: {  	[tilespmem:$0x7790] =	vst v0  }
0x2a: {  	[tilespmem:$0x77A0] =	vst v0  }
0x2b: {  	[tilespmem:$0x77B0] =	vst v0  }
0x2c: {  	[tilespmem:$0x77C0] =	vst v0  }
0x2d: {  	[tilespmem:$0x77D0] =	vst v0  }
0x2e: {  	[tilespmem:$0x77E0] =	vst v0  }
0x2f: {  	[tilespmem:$0x77F0] =	vst v0  }
0x30: {  	[tilespmem:$0x7800] =	vst v0  }
0x31: {  	[tilespmem:$0x7810] =	vst v0  }
0x32: {  	[tilespmem:$0x7820] =	vst v0  }
0x33: {  	[tilespmem:$0x7830] =	vst v0  }
0x34: {  	[tilespmem:$0x7840] =	vst v0  }
0x35: {  	[tilespmem:$0x7850] =	vst v0  }
0x36: {  	[tilespmem:$0x7860] =	vst v0  }
0x37: {  	[tilespmem:$0x7870] =	vst v0  }
0x38: {  	[spmem:s3] =	stream.linear.scatter [tilespmem:s8], [sflag:$0x2], $0x280, $0x38;
	[tilespmem:$0x7B00] =	vst v63  }
0x39: {  	_ =	swait.ge [sflag:s9], $0x280  }
0x3a: {  	[sflag:s9] =	ssyncset.done $0x0  }
0x3b: {  	[sflag:s9] =	ssyncadd.s32 $0xFFFFFD80  }
0x3c: {  	[bflag:$0x0] =	sbarrier.arrive $0xFFFF  }
0x3d: {  	[tilespmem:$0x7600] =	vst v1  }
0x3e: {  	[tilespmem:$0x7610] =	vst v1  }
0x3f: {  	[tilespmem:$0x7620] =	vst v1  }
0x40: {  	[tilespmem:$0x7630] =	vst v1  }
0x41: {  	[tilespmem:$0x7640] =	vst v1  }
0x42: {  	[tilespmem:$0x7650] =	vst v1  }
0x43: {  	[tilespmem:$0x7660] =	vst v1  }
0x44: {  	[tilespmem:$0x7670] =	vst v1  }
0x45: {  	[tilespmem:s2], [sflag:$0x2] =	stream.linear.gather [hbm4b:s4+s2], $0x4E00, $0x38;
	[tilespmem:$0x7B00] =	vst v63  }
0x46: {  	_ =	swait.ge [sflag:s9], $0x4E00  }
0x47: {  	[sflag:s9] =	ssyncset.done $0x0  }
0x48: {  	s18 =	simm.s32 $0x0;
	[sflag:s9] =	ssyncadd.s32 $0xFFFFB200  }
0x49: {  	v2 =	vld [tilespmem:s18+$0x80];
	_ =	sdelay $0x3  }
0x4a: {  	s17 =	simm.s32 $0x4E40  }
0x4b: {  	[tilespmem:s17+$0xFFFFFFC0] =	vst v2  }
0x4c: {  	v2 =	vld [tilespmem:s18+$0x90];
	_ =	sdelay $0x4  }
0x4d: {  	[tilespmem:s17+$0xFFFFFFD0] =	vst v2  }
0x4e: {  	v2 =	vld [tilespmem:s18+$0xA0];
	_ =	sdelay $0x4  }
0x4f: {  	[tilespmem:s17+$0xFFFFFFE0] =	vst v2  }
0x50: {  	v2 =	vld [tilespmem:s18+$0xB0];
	_ =	sdelay $0x4  }
0x51: {  	[tilespmem:s17+$0xFFFFFFF0] =	vst v2  }
0x52: {  	v2 =	vld [tilespmem:s18+$0xC0];
	_ =	sdelay $0x4  }
0x53: {  	[tilespmem:s17+$0x0] =	vst v2  }
0x54: {  	v2 =	vld [tilespmem:s18+$0xD0];
	_ =	sdelay $0x4  }
0x55: {  	[tilespmem:s17+$0x10] =	vst v2  }
0x56: {  	v2 =	vld [tilespmem:s18+$0xE0];
	_ =	sdelay $0x4  }
0x57: {  	[tilespmem:s17+$0x20] =	vst v2  }
0x58: {  	v2 =	vld [tilespmem:s18+$0xF0];
	_ =	sdelay $0x4  }
0x59: {  	s19 =	simm.s32 $0x800;
	s18 =	simm.s32 $0x100;
	[tilespmem:s17+$0x30] =	vst v2  }
.LBB2_2:
0x5a: {  	p1 =	sne.s32 s19, $0x13400;
	v2 =	vld [tilespmem:s18+$0x80];
	_ =	sdelay $0x3  }
0x5b: {  	s17 =	sadd.s32 $0x80, s17  }
0x5c: {  	[tilespmem:s17+$0xFFFFFFC0] =	vst v2  }
0x5d: {  	v2 =	vld [tilespmem:s18+$0x90];
	_ =	sdelay $0x4  }
0x5e: {  	[tilespmem:s17+$0xFFFFFFD0] =	vst v2  }
0x5f: {  	v2 =	vld [tilespmem:s18+$0xA0];
	_ =	sdelay $0x4  }
0x60: {  	[tilespmem:s17+$0xFFFFFFE0] =	vst v2  }
0x61: {  	v2 =	vld [tilespmem:s18+$0xB0];
	_ =	sdelay $0x4  }
0x62: {  	[tilespmem:s17+$0xFFFFFFF0] =	vst v2  }
0x63: {  	v2 =	vld [tilespmem:s18+$0xC0];
	_ =	sdelay $0x4  }
0x64: {  	[tilespmem:s17+$0x0] =	vst v2  }
0x65: {  	v2 =	vld [tilespmem:s18+$0xD0];
	_ =	sdelay $0x4  }
0x66: {  	[tilespmem:s17+$0x10] =	vst v2  }
0x67: {  	v2 =	vld [tilespmem:s18+$0xE0];
	_ =	sdelay $0x4  }
0x68: {  	[tilespmem:s17+$0x20] =	vst v2  }
0x69: {  	v2 =	vld [tilespmem:s18+$0xF0]  }
.Ltmp0:
0x6a: {  	(pc) =	sbr.rel @p1 .LBB2_2-.Ltmp0, $2  }
0x6b: {  	_ =	sdelay $0x2  }
0x6c: {  	s18 =	sshra.s32 s19, $0x2;
	s19 =	sadd.s32 $0x400, s19;
	[tilespmem:s17+$0x30] =	vst v2  }
0x6d: {  	v2 =	vld [tilespmem:s18+$0x80];
	_ =	sdelay $0x3  }
0x6e: {  	s17 =	sadd.s32 $0x80, s17  }
0x6f: {  	[tilespmem:s17+$0xFFFFFFC0] =	vst v2  }
0x70: {  	v2 =	vld [tilespmem:s18+$0x90];
	_ =	sdelay $0x4  }
0x71: {  	[tilespmem:s17+$0xFFFFFFD0] =	vst v2  }
0x72: {  	v2 =	vld [tilespmem:s18+$0xA0];
	_ =	sdelay $0x4  }
0x73: {  	[tilespmem:s17+$0xFFFFFFE0] =	vst v2  }
0x74: {  	v2 =	vld [tilespmem:s18+$0xB0];
	_ =	sdelay $0x4  }
0x75: {  	[tilespmem:s17+$0xFFFFFFF0] =	vst v2  }
0x76: {  	v2 =	vld [tilespmem:s18+$0xC0];
	_ =	sdelay $0x4  }
0x77: {  	[tilespmem:s17+$0x0] =	vst v2  }
0x78: {  	v2 =	vld [tilespmem:s18+$0xD0];
	_ =	sdelay $0x4  }
0x79: {  	[tilespmem:s17+$0x10] =	vst v2  }
0x7a: {  	v2 =	vld [tilespmem:s18+$0xE0];
	_ =	sdelay $0x4  }
0x7b: {  	[tilespmem:s17+$0x20] =	vst v2  }
0x7c: {  	v2 =	vld [tilespmem:s18+$0xF0];
	_ =	sdelay $0x4  }
0x7d: {  	s30 =	simm.s32 $0x4E00;
	[tilespmem:s17+$0x30] =	vst v2  }
0x7e: {  	[spmem:s1] =	stream.indirect.scatter.add.f32 [tilespmem:s8], [sflag:$0x1], $0x1, s30, s10, $0xb8;
	[tilespmem:$0x7B00] =	vst v63  }
0x7f: {  	s31 =	simm.s32 $0x4E80  }
0x80: {  	[spmem:s1] =	stream.indirect.scatter.add.f32 [tilespmem:s8], [sflag:$0x1], $0x1, s31, s10, $0xb8;
	[tilespmem:$0x7B00] =	vst v63  }
0x81: {  	_ =	swait.ge [sflag:s11], $0x80  }
0x82: {  	[sflag:s11] =	ssyncset.done $0x0  }
0x83: {  	[sflag:s11] =	ssyncadd.s32 $0xFFFFFF80  }
0x84: {  	_ =	swait.ge [sflag:s11], $0x80  }
0x85: {  	s18 =	simm.s32 $0x800;
	s17 =	simm.s32 $0x100;
	[sflag:s11] =	ssyncset.done $0x0  }
.LBB2_4:
0x86: {  	s19 =	sadd.s32 $0x4E00, s17  }
0x87: {  	[sflag:s11] =	ssyncadd.s32 $0xFFFFFF80;
	s20 =	smov.u32 s18;
	s21 =	sadd.s32 $0x400, s18  }
0x88: {  	[spmem:s1] =	stream.indirect.scatter.add.f32 [tilespmem:s8], [sflag:$0x1], $0x1, s19, s10, $0xb8;
	[tilespmem:$0x7B00] =	vst v63  }
0x89: {  	p1 =	sne.s32 s18, $0x9800;
	s17 =	sadd.s32 $0x4E80, s17  }
0x8a: {  	[spmem:s1] =	stream.indirect.scatter.add.f32 [tilespmem:s8], [sflag:$0x1], $0x1, s17, s10, $0xb8;
	[tilespmem:$0x7B00] =	vst v63  }
.Ltmp1:
0x8b: {  	_ =	swait.ge [sflag:s11], $0x80;
	(pc) =	sbr.rel @p1 .LBB2_4-.Ltmp1, $4  }
0x8c: {  	[sflag:s11] =	ssyncset.done $0x0  }
0x8d: {  	[sflag:s11] =	ssyncadd.s32 $0xFFFFFF80  }
0x8e: {  	_ =	swait.ge [sflag:s11], $0x80  }
0x8f: {  	s18 =	smov.u32 s21;
	s17 =	sshra.s32 s20, $0x2;
	[sflag:s11] =	ssyncset.done $0x0  }
0x90: {  	s18 =	sadd.s32 $0x4E00, s17;
	[sflag:s11] =	ssyncadd.s32 $0xFFFFFF80  }
0x91: {  	[spmem:s1] =	stream.indirect.scatter.add.f32 [tilespmem:s8], [sflag:$0x1], $0x1, s18, s10, $0xb8;
	[tilespmem:$0x7B00] =	vst v63  }
0x92: {  	s31 =	sadd.s32 $0x4E80, s17  }
0x93: {  	[spmem:s1] =	stream.indirect.scatter.add.f32 [tilespmem:s8], [sflag:$0x1], $0x1, s31, s10, $0xb8;
	[tilespmem:$0x7B00] =	vst v63  }
0x94: {  	_ =	swait.ge [sflag:s11], $0x80  }
0x95: {  	[sflag:s11] =	ssyncset.done $0x0  }
0x96: {  	[sflag:s11] =	ssyncadd.s32 $0xFFFFFF80  }
0x97: {  	_ =	swait.ge [sflag:s11], $0x80  }
0x98: {  	[sflag:s11] =	ssyncset.done $0x0  }
0x99: {  	s17 =	simm.s32 @!p0 $0x0;
	[sflag:s11] =	ssyncadd.s32 $0xFFFFFF80  }
0x9a: {  	[tilespmem:s17], [sflag:$0x2] =	stream.linear.gather @!p0 [hbm4b:s5+s17], $0x200, $0x38;
	[tilespmem:$0x7B00] =	vst v63  }
0x9b: {  	s17 =	simm.s32 @!p0 $0x2  }
0x9c: {  	_ =	swait.ge @!p0 [sflag:s17], $0x200  }
0x9d: {  	[sflag:s17] =	ssyncset.done @!p0 $0x0  }
0x9e: {  	[sflag:s17] =	ssyncadd.s32 @!p0 $0xFFFFFE00  }
0x9f: {  	v2 =	vld @!p0 [tilespmem:$0x80]  }
0xa0: {  	v3 =	vld @!p0 [tilespmem:$0x90]  }
0xa1: {  	v4 =	vld @!p0 [tilespmem:$0xA0]  }
0xa2: {  	v5 =	vld @!p0 [tilespmem:$0xB0]  }
0xa3: {  	v6 =	vld @!p0 [tilespmem:$0xC0]  }
0xa4: {  	[tilespmem:$0x4E00] =	vst @!p0 v2;
	v2 =	vld @!p0 [tilespmem:$0xD0]  }
0xa5: {  	[tilespmem:$0x4E10] =	vst @!p0 v3;
	v3 =	vld @!p0 [tilespmem:$0xE0]  }
0xa6: {  	[tilespmem:$0x4E20] =	vst @!p0 v4;
	v4 =	vld @!p0 [tilespmem:$0xF0]  }
0xa7: {  	[tilespmem:$0x4E30] =	vst @!p0 v5;
	v5 =	vld @!p0 [tilespmem:$0x180]  }
0xa8: {  	[tilespmem:$0x4E40] =	vst @!p0 v6;
	v6 =	vld @!p0 [tilespmem:$0x190]  }
0xa9: {  	[tilespmem:$0x4E50] =	vst @!p0 v2;
	v2 =	vld @!p0 [tilespmem:$0x1A0]  }
0xaa: {  	[tilespmem:$0x4E60] =	vst @!p0 v3;
	v3 =	vld @!p0 [tilespmem:$0x1B0]  }
0xab: {  	[tilespmem:$0x4E70] =	vst @!p0 v4;
	v4 =	vld @!p0 [tilespmem:$0x1C0]  }
0xac: {  	[tilespmem:$0x4E80] =	vst @!p0 v5;
	v5 =	vld @!p0 [tilespmem:$0x1D0]  }
0xad: {  	[tilespmem:$0x4E90] =	vst @!p0 v6;
	v6 =	vld @!p0 [tilespmem:$0x1E0]  }
0xae: {  	[tilespmem:$0x4EA0] =	vst @!p0 v2;
	v2 =	vld @!p0 [tilespmem:$0x1F0]  }
0xaf: {  	[tilespmem:$0x4EB0] =	vst @!p0 v3  }
0xb0: {  	[tilespmem:$0x4EC0] =	vst @!p0 v4  }
0xb1: {  	[tilespmem:$0x4ED0] =	vst @!p0 v5  }
0xb2: {  	[tilespmem:$0x4EE0] =	vst @!p0 v6  }
0xb3: {  	s19 =	simm.s32 @!p0 $0x4E00;
	s20 =	simm.s32 @!p0 $0x7600;
	s18 =	simm.s32 @!p0 $0x80;
	[tilespmem:$0x4EF0] =	vst @!p0 v2  }
0xb4: {  	[spmem:s1] =	stream.indirect.scatter.add.f32 @!p0 [tilespmem:s20], [sflag:$0x2], $0x1, s19, s18, $0xb8;
	[tilespmem:$0x7B00] =	vst v63  }
0xb5: {  	_ =	swait.ge @!p0 [sflag:s17], $0x80  }
0xb6: {  	[sflag:s17] =	ssyncset.done @!p0 $0x0  }
0xb7: {  	s19 =	simm.s32 @!p0 $0x4E80;
	[sflag:s17] =	ssyncadd.s32 @!p0 $0xFFFFFF80  }
0xb8: {  	[spmem:s1] =	stream.indirect.scatter.add.f32 @!p0 [tilespmem:s20], [sflag:$0x2], $0x1, s19, s18, $0xb8;
	[tilespmem:$0x7B00] =	vst v63  }
0xb9: {  	_ =	swait.ge @!p0 [sflag:s17], $0x80  }
0xba: {  	s16 =	sadd.s32 $0x1, s16;
	[sflag:s17] =	ssyncset.done @!p0 $0x0  }
0xbb: {  	p1 =	sne.s32 s16, s7;
	[sflag:s17] =	ssyncadd.s32 @!p0 $0xFFFFFF80  }
.Ltmp2:
0xbc: {  	[bflag:$0x0] =	sbarrier.arrive $0xFFFF;
	(pc) =	sbr.rel @p1 .LBB2_1-.Ltmp2, $4  }
0xbd: {  	[hbm:s6@s14], [sflag:s12] =	dma.strided [spmem:s13@s15], $0x50, s11, $0x10   }
0xbe: {  	_ =	swait.ge [sflag:s9], $0x50  }
0xbf: {  	[sflag:s9] =	ssyncset.done $0x0  }
0xc0: {  	[sflag:s9] =	ssyncadd.s32 $0xFFFFFFB0  }
0xc1: {  	_ =	sfence.sel $0x180000  }
0xc2: {  	[bflag:$0x0] =	sbarrier.arrive $0xFFFF  }
0xc3: {  	_ =	strace $0x90000047  }
0xc4: {  	s0 =	sadd.s32 @!p0 $0x100000, s0;
	[bflag:$0x2] =	sbarrier.arrive $0xFFFF  }
0xc5: {  	[sflag:s0] =	ssyncadd.tile.s32 @!p0 $0x1;
	_ =	shalt  }
.Lfunc_end2:
_tile_overlayer_lowered:
.L_overlay_start_2:
0xc6: {  	(tag) =	ssettag $0x2  }
0xc7: {  	s0 =	rddreg [dreg:$0x0];
	s2 =	stileid.u32  }
0xc8: {  	s1 =	rddreg [dreg:$0x1];
	p0 =	sne.s32 s2, $0x0  }
0xc9: {  	s3 =	rddreg [dreg:$0x2];
	[bflag:$0x3] =	sbarrier.arrive $0xFFFF;
	s2 =	simm.s32 @!p0 $0x1C02  }
0xca: {  	[timem:s3], [sflag:s2] =	dma.local @!p0 [hbm:s0], s1  }
0xcb: {  	s0 =	simm.s32 @!p0 $0x2  }
0xcc: {  	_ =	swait.ge @!p0 [sflag:s0], s1  }
0xcd: {  	s1 =	ssub.s32 @!p0 $0x0, s1;
	[sflag:s0] =	ssyncset.done @!p0 $0x0  }
0xce: {  	[sflag:s0] =	ssyncadd.s32 @!p0 s1  }
0xcf: {  	[bflag:$0x3] =	sbarrier.arrive $0xFFFF  }
0xd0: {  	_ =	shalt  }

// kernel: kernel.9.cloned.1.call-start
scs
__scs_entry_jumppad:
0x0: {  	(pc) =	sbr.rel $0x88, $3  }
0x1: {  	(tag) =	ssettag $0x0;
	lr =	simm.s32 $0x1  }
0x2: {  	[smem:$0x3F9D] =	sst lr;
	_ =	strace $0xD0000000  }
0x3: {  	_ = 	snop  }
0x4: {  	_ = 	snop  }
0x5: {  	_ = 	snop  }
0x6: {  	_ = 	snop  }
0x7: {  	_ = 	snop  }
__scs_overlays_trampoline_lowered:
0x8: {  	[smem:$0x3FAC] =	sst s0  }
0x9: {  	[smem:$0x3FAD] =	sst s1  }
0xa: {  	[smem:$0x3FAE] =	sst s2  }
0xb: {  	[smem:$0x3FAF] =	sst s3  }
0xc: {  	[smem:$0x3FB0] =	sst s4  }
0xd: {  	[smem:$0x3FB1] =	sst s5  }
0xe: {  	[smem:$0x3FB2] =	sst s6  }
0xf: {  	[smem:$0x3FB3] =	sst s7  }
0x10: {  	[smem:$0x3FB4] =	sst s8  }
0x11: {  	[smem:$0x3FB5] =	sst s9;
	s0 =	simm.s32 @!p0 $0x0  }
0x12: {  	s1 =	sld [smem:$0x3F9B];
	s0 =	simm.s32 @p0 $0x1  }
0x13: {  	[smem:$0x3FB6] =	sst s0;
	s0 =	simm.s32 @!p1 $0x0  }
0x14: {  	s2 =	sld [smem:$0x3F9A];
	s0 =	simm.s32 @p1 $0x1  }
0x15: {  	[smem:$0x3FB7] =	sst s0;
	s0 =	simm.s32 @!p2 $0x0  }
0x16: {  	s3 =	sld [smem:$0x3FDB];
	s0 =	simm.s32 @p2 $0x1  }
0x17: {  	s4 =	simm.s32 $0x1BF5;
	[smem:$0x3FB9] =	sst s0  }
0x18: {  	s0 =	sld [smem:$0x3F9C];
	_ =	swait.ge [sflag:s4], $0x0  }
0x19: {  	s7 =	sld [smem:$0x3F9D]  }
0x1a: {  	s8 =	sadd.s32 $0xFFFFE003, lr  }
0x1b: {  	s9 =	sadd.s32 $0xFFFFFEF7, lr;
	s5 =	simm.s32 $0xFFFFFFFF;
	p2 =	slt.u32 s8, $0xFFFFF086  }
0x1c: {  	p1 =	slt.u32 s9, $0xF7A;
	s5 =	simm.s32 @!p2 $0x0  }
0x1d: {  	s5 =	simm.s32 @p1 $0x1;
	p0 =	seq.s32 s7, s2  }
0x1e: {  	s7 =	smul.u32 @!p0 $0xF7A, s2;
	p2 =	seq.s32 @!p0 s5, $0x0  }
0x1f: {  	s9 =	smul.u32 $0xF7A, s1;
	s8 =	simm.s32 @!p0 $0x1BF5;
	p2 =	por !p2, p0  }
0x20: {  	[sflag:s8] =	ssyncset.s32 @!p0 $0xFFFFF086;
	s6 =	sadd.s32 @!p0 s3, s7;
	s7 =	simm.s32 @!p0 $0x108  }
0x21: {  	s3 =	sadd.s32 s3, s9;
	s6 =	sadd.s32 @!p0 $0x88, s6;
	s7 =	simm.s32 @p2 $0x1082  }
0x22: {  	[simem:s7], [sflag:s8] =	dma.local @!p0 [hbm:s6], $0xF7A  }
0x23: {  	s9 =	sor.u32 $0xD0000000, s2;
	s6 =	simm.s32 $0x108;
	_ =	swait.ge @!p0 [sflag:s8], $0x0  }
0x24: {  	s3 =	sadd.s32 $0x88, s3;
	s6 =	simm.s32 @!p1 $0x1082;
	[sflag:s4] =	ssyncset.s32 $0xFFFFF086  }
0x25: {  	[simem:s6], [sflag:s4] =	dma.local [hbm:s3], $0xF7A  }
0x26: {  	[smem:$0x3F9D] =	sst s1;
	(tag) =	ssettag s2;
	_ =	strace s9  }
0x27: {  	s1 =	sld [smem:$0x3FAD]  }
0x28: {  	s2 =	sld [smem:$0x3FAE]  }
0x29: {  	s4 =	sld [smem:$0x3FB0]  }
0x2a: {  	p0 =	seq.s32 s5, $0x0;
	s5 =	sld [smem:$0x3FB1]  }
0x2b: {  	s6 =	sld [smem:$0x3FB2]  }
0x2c: {  	s7 =	sld [smem:$0x3FB3]  }
0x2d: {  	s3 =	simm.s32 $0x108;
	s8 =	sld [smem:$0x3FB4]  }
0x2e: {  	s3 =	simm.s32 @!p0 $0x1082;
	s9 =	sld [smem:$0x3FB5]  }
0x2f: {  	lr =	sadd.s32 s0, s3;
	s0 =	sld [smem:$0x3FAC]  }
0x30: {  	s3 =	sld [smem:$0x3FAF]  }
0x31: {  	[smem:$0x3FB8] =	sst s10  }
0x32: {  	s10 =	sld [smem:$0x3FB6];
	_ =	sdelay $0x3  }
0x33: {  	p0 =	seq.s32 s10, $0x1;
	s10 =	sld [smem:$0x3FB8];
	_ =	sdelay $0x3  }
0x34: {  	[smem:$0x3FB8] =	sst s10  }
0x35: {  	s10 =	sld [smem:$0x3FB7];
	_ =	sdelay $0x3  }
0x36: {  	p1 =	seq.s32 s10, $0x1;
	s10 =	sld [smem:$0x3FB8];
	_ =	sdelay $0x3  }
0x37: {  	[smem:$0x3FB8] =	sst s10  }
0x38: {  	s10 =	sld [smem:$0x3FB9]  }
0x39: {  	_ = 	snop;
	(pc) =	sbr.ind lr, $3  }
0x3a: {  	_ = 	snop  }
0x3b: {  	_ = 	snop  }
0x3c: {  	p2 =	seq.s32 s10, $0x1;
	s10 =	sld [smem:$0x3FB8]  }
0x3d: {  	_ =	shalt  }
0x3e: {  	_ =	shalt  }
0x3f: {  	_ =	shalt  }
0x40: {  	_ =	shalt  }
0x41: {  	_ =	shalt  }
0x42: {  	_ =	shalt  }
0x43: {  	_ =	shalt  }
0x44: {  	_ =	shalt  }
0x45: {  	_ =	shalt  }
0x46: {  	_ =	shalt  }
0x47: {  	_ =	shalt  }
0x48: {  	_ =	shalt  }
0x49: {  	_ =	shalt  }
0x4a: {  	_ =	shalt  }
0x4b: {  	_ =	shalt  }
0x4c: {  	_ =	shalt  }
0x4d: {  	_ =	shalt  }
0x4e: {  	_ =	shalt  }
0x4f: {  	_ =	shalt  }
0x50: {  	_ =	shalt  }
0x51: {  	_ =	shalt  }
0x52: {  	_ =	shalt  }
0x53: {  	_ =	shalt  }
0x54: {  	_ =	shalt  }
0x55: {  	_ =	shalt  }
0x56: {  	_ =	shalt  }
0x57: {  	_ =	shalt  }
0x58: {  	_ =	shalt  }
0x59: {  	_ =	shalt  }
0x5a: {  	_ =	shalt  }
0x5b: {  	_ =	shalt  }
0x5c: {  	_ =	shalt  }
0x5d: {  	_ =	shalt  }
0x5e: {  	_ =	shalt  }
0x5f: {  	_ =	shalt  }
0x60: {  	_ =	shalt  }
0x61: {  	_ =	shalt  }
0x62: {  	_ =	shalt  }
0x63: {  	_ =	shalt  }
0x64: {  	_ =	shalt  }
0x65: {  	_ =	shalt  }
0x66: {  	_ =	shalt  }
0x67: {  	_ =	shalt  }
0x68: {  	_ =	shalt  }
0x69: {  	_ =	shalt  }
0x6a: {  	_ =	shalt  }
0x6b: {  	_ =	shalt  }
0x6c: {  	_ =	shalt  }
0x6d: {  	_ =	shalt  }
0x6e: {  	_ =	shalt  }
0x6f: {  	_ =	shalt  }
0x70: {  	_ =	shalt  }
0x71: {  	_ =	shalt  }
0x72: {  	_ =	shalt  }
0x73: {  	_ =	shalt  }
0x74: {  	_ =	shalt  }
0x75: {  	_ =	shalt  }
0x76: {  	_ =	shalt  }
0x77: {  	_ =	shalt  }
0x78: {  	_ =	shalt  }
0x79: {  	_ =	shalt  }
0x7a: {  	_ =	shalt  }
0x7b: {  	_ =	shalt  }
0x7c: {  	_ =	shalt  }
0x7d: {  	_ =	shalt  }
0x7e: {  	_ =	shalt  }
0x7f: {  	_ =	shalt  }
0x80: {  	_ =	shalt  }
0x81: {  	_ =	shalt  }
0x82: {  	_ =	shalt  }
0x83: {  	_ =	shalt  }
0x84: {  	_ =	shalt  }
0x85: {  	_ =	shalt  }
0x86: {  	_ =	shalt  }
0x87: {  	_ =	shalt  }
.Lfunc_end0:
.L_simem_size_0:
called_computation.1_lowered:
.L_overlay_start_0:
0x88: {  	s2 =	sld [smem:$0x3FD9]  }
0x89: {  	s3 =	sld [smem:$0x3FFE];
	_ =	sdelay $0x1  }
0x8a: {  	s1 =	srdreg.scid  }
0x8b: {  	s0 =	sand.u32 $0x1, s1  }
0x8c: {  	s17 =	sshll.u32 s0, $0xA;
	s2 =	sadd.s32 s3, s2  }
0x8d: {  	s2 =	sadd.s32 s2, s17  }
0x8e: {  	[smem:$0x3FC4] =	sst s2  }
0x8f: {  	_ = 	snop  }
0x90: {  	s2 =	sld [smem:$0x3FC8];
	(tm) =	ssettm $0x1  }
0x91: {  	s18 =	sld [smem:$0x3FFB];
	_ =	sdelay $0x3  }
0x92: {  	_ =	strace s18  }
0x93: {  	s3 =	sld [smem:$0x3FFC];
	_ =	sdelay $0x3  }
0x94: {  	_ =	strace s3  }
0x95: {  	s3 =	sld [smem:$0x3FFD];
	_ =	sdelay $0x3  }
0x96: {  	_ =	strace s3  }
0x97: {  	_ =	strace $0x8FFFFFFF  }
0x98: {  	s19 =	sld [smem:$0x3FDB];
	_ =	sdelay $0x1  }
0x99: {  	s4 =	simm.s32 $_scs_section_size  }
0x9a: {  	s5 =	simm.s32 $_size__tile_overlayer_lowered;
	s6 =	simm.s32 $_tile_overlayer_lowered  }
0x9b: {  	s22 =	simm.s32 $0x1BFF;
	s21 =	sshll.u32 s6, $0x1;
	s3 =	sadd.s32 s4, s19  }
0x9c: {  	s7 =	simm.s32 $0x0;
	s20 =	sshll.u32 s5, $0x1;
	s5 =	sadd.s32 s21, s3  }
0x9d: {  	[timem:s7], [sflag:s22] =	dma.local [hbm:s5], s20  }
0x9e: {  	_ =	swait.ge [sflag:s22], s20  }
0x9f: {  	s4 =	ssub.s32 $0x0, s20;
	[sflag:s22] =	ssyncset.done $0x0  }
0xa0: {  	[sflag:s22] =	ssyncadd.s32 s4;
	_ =	sdelay $0x1  }
0xa1: {  	s23 =	simm.s32 $0x1B8B  }
0xa2: {  	_ =	swait.ge [sflag:s23], $0x1  }
0xa3: {  	[sflag:s23] =	ssyncset.done $0x0  }
0xa4: {  	s25 =	simm.s32 $0x1B8E;
	s24 =	sld [smem:$0x3FFE];
	[sflag:s23] =	ssyncadd.s32 $0xFFFFFFFF  }
0xa5: {  	s26 =	simm.s32 $execute0_lowered;
	[smem:$0x3FD2] =	sst s25  }
0xa6: {  	s5 =	sshll.u32 s26, $0x1;
	_ =	strace $0x80000049;
	[dreg:$0x1] =	wrdreg $0xFFFFFFFF  }
0xa7: {  	s28 =	simm.s32 $_size_execute0_lowered;
	s3 =	sadd.s32 s3, s5;
	[dreg:$0x0] =	wrdreg $0x0  }
0xa8: {  	s5 =	sshll.u32 s28, $0x1;
	[dreg:$0x2] =	wrdreg s3  }
0xa9: {  	[dreg:$0x3] =	wrdreg s5  }
0xaa: {  	[dreg:$0x4] =	wrdreg $0xC0  }
0xab: {  	_ =	task [dreg:s7], $0x5FFFF  }
0xac: {  	[dreg:$0x1] =	wrdreg $0xFFFFFFFF  }
0xad: {  	[dreg:$0x0] =	wrdreg $0x60  }
0xae: {  	[dreg:$0x2] =	wrdreg s24  }
0xaf: {  	[dreg:$0x3] =	wrdreg s2  }
0xb0: {  	[dreg:$0x4] =	wrdreg $0xBC000  }
0xb1: {  	[dreg:$0x5] =	wrdreg $0x9  }
0xb2: {  	_ =	task.clear_ibuf [dreg:s7], $0x6FFFF;
	_ =	strace $0x90000049  }
0xb3: {  	s29 =	simm.s32 $0x9;
	_ =	strace $0x8000004B  }
0xb4: {  	_ =	swait.ge [sflag:s29], $0x1  }
0xb5: {  	[sflag:s29] =	ssyncadd.s32 $0xFFFFFFFF  }
0xb6: {  	_ =	strace $0x9000004B  }
0xb7: {  	_ =	sfence  }
0xb8: {  	s30 =	sld [smem:$0x0];
	_ =	sdelay $0x2  }
0xb9: {  	s31 =	sshll.u32 s1, $0xD;
	s1 =	sshrl.u32 s1, $0x2  }
0xba: {  	s3 =	sand.u32 $0x4000, s31;
	s1 =	sadd.s32 s1, s30  }
0xbb: {  	s0 =	sor.u32 s3, s0;
	s1 =	sshll.u32 s1, $0x11  }
0xbc: {  	s0 =	sor.u32 s1, s0  }
0xbd: {  	s0 =	sadd.s32 $0x8F2B, s0  }
0xbe: {  	[sflag:s0] =	ssyncadd.remote.s32 $0x1  }
0xbf: {  	_ =	sfence.sel $0xFFFF  }
0xc0: {  	[dreg:$0x0] =	wrdreg $0xFFFFFFFF;
	(pc) =	sbr.abs _section_cstart, $3  }
0xc1: {  	[dreg:$0x1] =	wrdreg $0xFFFFFFFF  }
0xc2: {  	_ =	task.clear_ibuf [dreg:s7], $0x2FFFF;
	_ =	strace $0x9FFFFFFF  }
0xc3: {  	(tm) =	ssettm $0x7FFFFFFF  }
tec
execute0_lowered:
.L_overlay_start_1:
0x0: {  	(tag) =	ssettag $0x1  }
0x1: {  	s5 =	rddreg [dreg:$0x0]  }
0x2: {  	s0 =	srdreg.scid;
	s12 =	rddreg [dreg:$0x1]  }
0x3: {  	s1 =	stileid.u32;
	s2 =	rddreg [dreg:$0x2];
	s3 =	simm.s32 $0x0  }
0x4: {  	s17 =	simm.s32 $0x80;
	s18 =	simm.s32 $0x100;
	s19 =	simm.s32 $0x7C00  }
0x5: {  	s20 =	simm.s32 $0x1;
	s21 =	simm.s32 $0x2;
	s22 =	simm.s32 $0x3B00  }
0x6: {  	s23 =	simm.s32 $0x3B80;
	s24 =	simm.s32 $0x3A00;
	s25 =	simm.s32 $0x3A80  }
0x7: {  	s10 =	sand.u32 $0x1, s0;
	s6 =	smul.u32 $0x14000, s1;
	s0 =	rddreg [dreg:$0x3]  }
0x8: {  	[smem:$0x7FF] =	sst s3;
	s7 =	smul.u32 $0x50000, s1;
	p0 =	sne.s32 s1, $0x0  }
0x9: {  	s4 =	smul.u32 $0x140000, s10;
	_ =	strace $0x8000004A;
	s28 =	sshll.u32 s10, $0x4  }
0xa: {  	s29 =	ssub.s32 $0x2, s10;
	s16 =	sshll.u32 s10, $0x6;
	s9 =	sor.u32 s1, s28  }
0xb: {  	s30 =	sshrl.u32 s7, $0x2;
	s31 =	sshrl.u32 s29, $0x1;
	s11 =	smul.u32 $0x4E00, s9  }
0xc: {  	s4 =	sadd.s32 s6, s4;
	s14 =	ssub.s32 s29, s31;
	s15 =	smul.u32 $0x9C0, s9  }
0xd: {  	s6 =	sshrl.u32 s4, $0x3;
	s4 =	sadd.s32 $0x1400, s5;
	s14 =	smax.u32 s14, $0x1  }
0xe: {  	s13 =	sadd.s32 s6, s5;
	s5 =	sadd.s32 s30, s2;
	s11 =	sshrl.u32 s11, $0x3  }
0xf: {  	s10 =	sadd.s32 s12, s15;
	s15 =	simm.s32 $0x3C00;
	s6 =	sadd.s32 $0x4000, s5  }
0x10: {  	s7 =	sadd.s32 $0x8000, s5;
	s8 =	sadd.s32 $0xC000, s5;
	s9 =	sadd.s32 $0x10000, s5  }
0x11: {  	s11 =	sadd.s32 s12, s11;
	s12 =	sadd.s32 s16, s12;
	s13 =	sadd.s32 $0x29400, s13  }
0x12: {  	v0 =	vimm.f32 $0.0e+00;
	s16 =	simm.s32 $0x3;
	s11 =	sadd.s32 $0x500, s11;
	s12 =	sadd.s32 $0x13800, s12  }
.LBB2_1:
0x13: {  	s26 =	simm.s32 $0x0;
	s28 =	simm.s32 $0x200  }
.LBB2_2:
0x14: {  	p1 =	sne.s32 s28, $0xFE00;
	[tilespmem:s26+$0x3C70] =	vst v0  }
0x15: {  	[tilespmem:s26+$0x3C00] =	vst v0  }
0x16: {  	[tilespmem:s26+$0x3C10] =	vst v0  }
.Ltmp0:
0x17: {  	[tilespmem:s26+$0x3C20] =	vst v0;
	(pc) =	sbr.rel @p1 .LBB2_2-.Ltmp0, $4  }
0x18: {  	[tilespmem:s26+$0x3C30] =	vst v0  }
0x19: {  	[tilespmem:s26+$0x3C40] =	vst v0  }
0x1a: {  	[tilespmem:s26+$0x3C50] =	vst v0  }
0x1b: {  	[tilespmem:s26+$0x3C60] =	vst v0;
	s26 =	sshra.s32 s28, $0x2;
	s28 =	sadd.s32 $0x200, s28  }
0x1c: {  	[tilespmem:s26+$0x3C70] =	vst v0  }
0x1d: {  	[tilespmem:s26+$0x3C00] =	vst v0  }
0x1e: {  	[tilespmem:s26+$0x3C10] =	vst v0  }
0x1f: {  	[tilespmem:s26+$0x3C20] =	vst v0  }
0x20: {  	[tilespmem:s26+$0x3C30] =	vst v0  }
0x21: {  	[tilespmem:s26+$0x3C40] =	vst v0  }
0x22: {  	[tilespmem:s26+$0x3C50] =	vst v0  }
0x23: {  	[tilespmem:s26+$0x3C60] =	vst v0  }
0x24: {  	[spmem:s5] =	stream.linear.scatter [tilespmem:s15], [sflag:$0x3], $0x4000, $0x38;
	[tilespmem:$0x1FC00] =	vst v63  }
0x25: {  	_ =	swait.ge [sflag:s16], $0x4000  }
0x26: {  	[sflag:s16] =	ssyncset.done $0x0  }
0x27: {  	[sflag:s16] =	ssyncadd.s32 $0xFFFFC000  }
0x28: {  	[spmem:s6] =	stream.linear.scatter [tilespmem:s15], [sflag:$0x3], $0x4000, $0x38;
	[tilespmem:$0x1FC00] =	vst v63  }
0x29: {  	_ =	swait.ge [sflag:s16], $0x4000  }
0x2a: {  	[sflag:s16] =	ssyncset.done $0x0  }
0x2b: {  	[sflag:s16] =	ssyncadd.s32 $0xFFFFC000  }
0x2c: {  	[spmem:s7] =	stream.linear.scatter [tilespmem:s15], [sflag:$0x3], $0x4000, $0x38;
	[tilespmem:$0x1FC00] =	vst v63  }
0x2d: {  	_ =	swait.ge [sflag:s16], $0x4000  }
0x2e: {  	[sflag:s16] =	ssyncset.done $0x0  }
0x2f: {  	[sflag:s16] =	ssyncadd.s32 $0xFFFFC000  }
0x30: {  	[spmem:s8] =	stream.linear.scatter [tilespmem:s15], [sflag:$0x3], $0x4000, $0x38;
	[tilespmem:$0x1FC00] =	vst v63  }
0x31: {  	_ =	swait.ge [sflag:s16], $0x4000  }
0x32: {  	[sflag:s16] =	ssyncset.done $0x0  }
0x33: {  	[sflag:s16] =	ssyncadd.s32 $0xFFFFC000  }
0x34: {  	[spmem:s9] =	stream.linear.scatter [tilespmem:s15], [sflag:$0x3], $0x4000, $0x38;
	[tilespmem:$0x1FC00] =	vst v63  }
0x35: {  	_ =	swait.ge [sflag:s16], $0x4000  }
0x36: {  	[sflag:s16] =	ssyncset.done $0x0  }
0x37: {  	[sflag:s16] =	ssyncadd.s32 $0xFFFFC000  }
0x38: {  	s31 =	simm.s32 $0x0;
	[bflag:$0x0] =	sbarrier.arrive $0xFFFF  }
0x39: {  	[tilespmem:s31], [sflag:$0x3] =	stream.linear.gather [hbm4b:s10+s31], $0x2800, $0x38;
	[tilespmem:$0x1FC00] =	vst v63  }
0x3a: {  	_ =	swait.ge [sflag:s16], $0x2800  }
0x3b: {  	[sflag:s16] =	ssyncset.done $0x0  }
0x3c: {  	s28 =	simm.s32 $0x0;
	[sflag:s16] =	ssyncadd.s32 $0xFFFFD800  }
0x3d: {  	v1 =	vld [tilespmem:s28+$0x80];
	_ =	sdelay $0x3  }
0x3e: {  	s26 =	simm.s32 $0x2840  }
0x3f: {  	[tilespmem:s26+$0xFFFFFFC0] =	vst v1  }
0x40: {  	v1 =	vld [tilespmem:s28+$0x90];
	_ =	sdelay $0x4  }
0x41: {  	[tilespmem:s26+$0xFFFFFFD0] =	vst v1  }
0x42: {  	v1 =	vld [tilespmem:s28+$0xA0];
	_ =	sdelay $0x4  }
0x43: {  	[tilespmem:s26+$0xFFFFFFE0] =	vst v1  }
0x44: {  	v1 =	vld [tilespmem:s28+$0xB0];
	_ =	sdelay $0x4  }
0x45: {  	[tilespmem:s26+$0xFFFFFFF0] =	vst v1  }
0x46: {  	v1 =	vld [tilespmem:s28+$0xC0];
	_ =	sdelay $0x4  }
0x47: {  	[tilespmem:s26+$0x0] =	vst v1  }
0x48: {  	v1 =	vld [tilespmem:s28+$0xD0];
	_ =	sdelay $0x4  }
0x49: {  	[tilespmem:s26+$0x10] =	vst v1  }
0x4a: {  	v1 =	vld [tilespmem:s28+$0xE0];
	_ =	sdelay $0x4  }
0x4b: {  	[tilespmem:s26+$0x20] =	vst v1  }
0x4c: {  	v1 =	vld [tilespmem:s28+$0xF0];
	_ =	sdelay $0x4  }
0x4d: {  	s29 =	simm.s32 $0x800;
	s28 =	simm.s32 $0x100;
	[tilespmem:s26+$0x30] =	vst v1  }
.LBB2_4:
0x4e: {  	p1 =	sne.s32 s29, $0x9C00;
	v1 =	vld [tilespmem:s28+$0x80];
	_ =	sdelay $0x3  }
0x4f: {  	s26 =	sadd.s32 $0x80, s26  }
0x50: {  	[tilespmem:s26+$0xFFFFFFC0] =	vst v1  }
0x51: {  	v1 =	vld [tilespmem:s28+$0x90];
	_ =	sdelay $0x4  }
0x52: {  	[tilespmem:s26+$0xFFFFFFD0] =	vst v1  }
0x53: {  	v1 =	vld [tilespmem:s28+$0xA0];
	_ =	sdelay $0x4  }
0x54: {  	[tilespmem:s26+$0xFFFFFFE0] =	vst v1  }
0x55: {  	v1 =	vld [tilespmem:s28+$0xB0];
	_ =	sdelay $0x4  }
0x56: {  	[tilespmem:s26+$0xFFFFFFF0] =	vst v1  }
0x57: {  	v1 =	vld [tilespmem:s28+$0xC0];
	_ =	sdelay $0x4  }
0x58: {  	[tilespmem:s26+$0x0] =	vst v1  }
0x59: {  	v1 =	vld [tilespmem:s28+$0xD0];
	_ =	sdelay $0x4  }
0x5a: {  	[tilespmem:s26+$0x10] =	vst v1  }
0x5b: {  	v1 =	vld [tilespmem:s28+$0xE0];
	_ =	sdelay $0x4  }
0x5c: {  	[tilespmem:s26+$0x20] =	vst v1  }
0x5d: {  	v1 =	vld [tilespmem:s28+$0xF0]  }
.Ltmp1:
0x5e: {  	(pc) =	sbr.rel @p1 .LBB2_4-.Ltmp1, $2  }
0x5f: {  	_ =	sdelay $0x2  }
0x60: {  	s28 =	sshra.s32 s29, $0x2;
	s29 =	sadd.s32 $0x400, s29;
	[tilespmem:s26+$0x30] =	vst v1  }
0x61: {  	v1 =	vld [tilespmem:s28+$0x80];
	_ =	sdelay $0x3  }
0x62: {  	s26 =	sadd.s32 $0x80, s26  }
0x63: {  	[tilespmem:s26+$0xFFFFFFC0] =	vst v1  }
0x64: {  	v1 =	vld [tilespmem:s28+$0x90];
	_ =	sdelay $0x4  }
0x65: {  	[tilespmem:s26+$0xFFFFFFD0] =	vst v1  }
0x66: {  	v1 =	vld [tilespmem:s28+$0xA0];
	_ =	sdelay $0x4  }
0x67: {  	[tilespmem:s26+$0xFFFFFFE0] =	vst v1  }
0x68: {  	v1 =	vld [tilespmem:s28+$0xB0];
	_ =	sdelay $0x4  }
0x69: {  	[tilespmem:s26+$0xFFFFFFF0] =	vst v1  }
0x6a: {  	v1 =	vld [tilespmem:s28+$0xC0];
	_ =	sdelay $0x4  }
0x6b: {  	[tilespmem:s26+$0x0] =	vst v1  }
0x6c: {  	v1 =	vld [tilespmem:s28+$0xD0];
	_ =	sdelay $0x4  }
0x6d: {  	[tilespmem:s26+$0x10] =	vst v1  }
0x6e: {  	v1 =	vld [tilespmem:s28+$0xE0];
	_ =	sdelay $0x4  }
0x6f: {  	[tilespmem:s26+$0x20] =	vst v1  }
0x70: {  	v1 =	vld [tilespmem:s28+$0xF0];
	_ =	sdelay $0x4  }
0x71: {  	s30 =	simm.s32 $0x0;
	[tilespmem:s26+$0x30] =	vst v1  }
0x72: {  	[tilespmem:s15], [sflag:$0x1] =	stream.indirect.gather [hbm4b:s4+s17], $0x80, s30, s17, $0xb8;
	[tilespmem:$0x1FC00] =	vst v63  }
0x73: {  	_ = 	snop  }
0x74: {  	[tilespmem:s19], [sflag:$0x2] =	stream.indirect.gather [hbm4b:s4+s17], $0x80, s18, s17, $0xb8;
	[tilespmem:$0x1FC00] =	vst v63  }
0x75: {  	_ =	swait.ge [sflag:s20], $0x4000  }
0x76: {  	[sflag:s20] =	ssyncset.done $0x0  }
0x77: {  	s31 =	simm.s32 $0x2800;
	[sflag:s20] =	ssyncadd.s32 $0xFFFFC000  }
0x78: {  	[spmem:s2] =	stream.indirect.scatter.add.f32 [tilespmem:s15], [sflag:$0x3], $0x80, s31, s17, $0xb8;
	[tilespmem:$0x1FC00] =	vst v63  }
0x79: {  	_ =	swait.ge [sflag:s16], $0x4000  }
0x7a: {  	[sflag:s16] =	ssyncset.done $0x0  }
0x7b: {  	s30 =	simm.s32 $0x200;
	[sflag:s16] =	ssyncadd.s32 $0xFFFFC000  }
0x7c: {  	[tilespmem:s15], [sflag:$0x1] =	stream.indirect.gather [hbm4b:s4+s17], $0x80, s30, s17, $0xb8;
	[tilespmem:$0x1FC00] =	vst v63  }
0x7d: {  	_ =	swait.ge [sflag:s21], $0x4000  }
0x7e: {  	[sflag:s21] =	ssyncset.done $0x0  }
0x7f: {  	s31 =	simm.s32 $0x2880;
	[sflag:s21] =	ssyncadd.s32 $0xFFFFC000  }
0x80: {  	[spmem:s2] =	stream.indirect.scatter.add.f32 [tilespmem:s19], [sflag:$0x3], $0x80, s31, s17, $0xb8;
	[tilespmem:$0x1FC00] =	vst v63  }
0x81: {  	_ =	swait.ge [sflag:s16], $0x4000  }
0x82: {  	s29 =	simm.s32 $0x500;
	[sflag:s16] =	ssyncset.done $0x0  }
0x83: {  	s28 =	simm.s32 $0x400;
	s26 =	simm.s32 $0x300;
	[sflag:s16] =	ssyncadd.s32 $0xFFFFC000  }
.LBB2_6:
0x84: {  	[tilespmem:s19], [sflag:$0x2] =	stream.indirect.gather [hbm4b:s4+s17], $0x80, s26, s17, $0xb8;
	[tilespmem:$0x1FC00] =	vst v63  }
0x85: {  	s30 =	smov.u32 s28;
	s26 =	smov.u32 s29  }
0x86: {  	p1 =	sne.s32 s28, $0x4800;
	s28 =	sadd.s32 $0x400, s28;
	_ =	swait.ge [sflag:s20], $0x4000  }
0x87: {  	s30 =	sshra.s32 s30, $0x2;
	[sflag:s20] =	ssyncset.done $0x0  }
0x88: {  	s31 =	sadd.s32 $0x2800, s30;
	[sflag:s20] =	ssyncadd.s32 $0xFFFFC000  }
0x89: {  	[spmem:s2] =	stream.indirect.scatter.add.f32 [tilespmem:s15], [sflag:$0x3], $0x80, s31, s17, $0xb8;
	[tilespmem:$0x1FC00] =	vst v63  }
0x8a: {  	_ =	swait.ge [sflag:s16], $0x4000  }
0x8b: {  	[sflag:s16] =	ssyncset.done $0x0  }
0x8c: {  	s31 =	sadd.s32 $0xFFFFFF00, s29;
	[sflag:s16] =	ssyncadd.s32 $0xFFFFC000  }
0x8d: {  	[tilespmem:s15], [sflag:$0x1] =	stream.indirect.gather [hbm4b:s4+s17], $0x80, s31, s17, $0xb8;
	[tilespmem:$0x1FC00] =	vst v63  }
0x8e: {  	_ =	swait.ge [sflag:s21], $0x4000  }
0x8f: {  	[sflag:s21] =	ssyncset.done $0x0  }
.Ltmp2:
0x90: {  	s30 =	sadd.s32 $0x2880, s30;
	[sflag:s21] =	ssyncadd.s32 $0xFFFFC000;
	(pc) =	sbr.rel @p1 .LBB2_6-.Ltmp2, $4  }
0x91: {  	[spmem:s2] =	stream.indirect.scatter.add.f32 [tilespmem:s19], [sflag:$0x3], $0x80, s30, s17, $0xb8;
	[tilespmem:$0x1FC00] =	vst v63  }
0x92: {  	_ =	swait.ge [sflag:s16], $0x4000  }
0x93: {  	[sflag:s16] =	ssyncset.done $0x0  }
0x94: {  	s29 =	sadd.s32 $0x200, s29;
	[sflag:s16] =	ssyncadd.s32 $0xFFFFC000  }
0x95: {  	[tilespmem:s19], [sflag:$0x2] =	stream.indirect.gather [hbm4b:s4+s17], $0x80, s26, s17, $0xb8;
	[tilespmem:$0x1FC00] =	vst v63  }
0x96: {  	_ =	swait.ge [sflag:s20], $0x4000  }
0x97: {  	[sflag:s20] =	ssyncset.done $0x0  }
0x98: {  	[sflag:s20] =	ssyncadd.s32 $0xFFFFC000  }
0x99: {  	[spmem:s2] =	stream.indirect.scatter.add.f32 [tilespmem:s15], [sflag:$0x3], $0x80, s22, s17, $0xb8;
	[tilespmem:$0x1FC00] =	vst v63  }
0x9a: {  	_ =	swait.ge [sflag:s16], $0x4000  }
0x9b: {  	[sflag:s16] =	ssyncset.done $0x0  }
0x9c: {  	[sflag:s16] =	ssyncadd.s32 $0xFFFFC000  }
0x9d: {  	_ =	swait.ge [sflag:s21], $0x4000  }
0x9e: {  	[sflag:s21] =	ssyncset.done $0x0  }
0x9f: {  	[sflag:s21] =	ssyncadd.s32 $0xFFFFC000  }
0xa0: {  	[spmem:s2] =	stream.indirect.scatter.add.f32 [tilespmem:s19], [sflag:$0x3], $0x80, s23, s17, $0xb8;
	[tilespmem:$0x1FC00] =	vst v63  }
0xa1: {  	_ =	swait.ge [sflag:s16], $0x4000  }
0xa2: {  	[sflag:s16] =	ssyncset.done $0x0  }
0xa3: {  	s31 =	simm.s32 $0x0;
	[sflag:s16] =	ssyncadd.s32 $0xFFFFC000  }
0xa4: {  	[tilespmem:s31], [sflag:$0x3] =	stream.linear.gather [hbm4b:s11+s31], $0x2600, $0x38;
	[tilespmem:$0x1FC00] =	vst v63  }
0xa5: {  	_ =	swait.ge [sflag:s16], $0x2600  }
0xa6: {  	[sflag:s16] =	ssyncset.done $0x0  }
0xa7: {  	s28 =	simm.s32 $0x0;
	[sflag:s16] =	ssyncadd.s32 $0xFFFFDA00  }
0xa8: {  	v1 =	vld [tilespmem:s28+$0x80];
	_ =	sdelay $0x3  }
0xa9: {  	s26 =	simm.s32 $0x2840  }
0xaa: {  	[tilespmem:s26+$0xFFFFFFC0] =	vst v1  }
0xab: {  	v1 =	vld [tilespmem:s28+$0x90];
	_ =	sdelay $0x4  }
0xac: {  	[tilespmem:s26+$0xFFFFFFD0] =	vst v1  }
0xad: {  	v1 =	vld [tilespmem:s28+$0xA0];
	_ =	sdelay $0x4  }
0xae: {  	[tilespmem:s26+$0xFFFFFFE0] =	vst v1  }
0xaf: {  	v1 =	vld [tilespmem:s28+$0xB0];
	_ =	sdelay $0x4  }
0xb0: {  	[tilespmem:s26+$0xFFFFFFF0] =	vst v1  }
0xb1: {  	v1 =	vld [tilespmem:s28+$0xC0];
	_ =	sdelay $0x4  }
0xb2: {  	[tilespmem:s26+$0x0] =	vst v1  }
0xb3: {  	v1 =	vld [tilespmem:s28+$0xD0];
	_ =	sdelay $0x4  }
0xb4: {  	[tilespmem:s26+$0x10] =	vst v1  }
0xb5: {  	v1 =	vld [tilespmem:s28+$0xE0];
	_ =	sdelay $0x4  }
0xb6: {  	[tilespmem:s26+$0x20] =	vst v1  }
0xb7: {  	v1 =	vld [tilespmem:s28+$0xF0];
	_ =	sdelay $0x4  }
0xb8: {  	s29 =	simm.s32 $0x800;
	s28 =	simm.s32 $0x100;
	[tilespmem:s26+$0x30] =	vst v1  }
.LBB2_8:
0xb9: {  	p1 =	sne.s32 s29, $0x9400;
	v1 =	vld [tilespmem:s28+$0x80];
	_ =	sdelay $0x3  }
0xba: {  	s26 =	sadd.s32 $0x80, s26  }
0xbb: {  	[tilespmem:s26+$0xFFFFFFC0] =	vst v1  }
0xbc: {  	v1 =	vld [tilespmem:s28+$0x90];
	_ =	sdelay $0x4  }
0xbd: {  	[tilespmem:s26+$0xFFFFFFD0] =	vst v1  }
0xbe: {  	v1 =	vld [tilespmem:s28+$0xA0];
	_ =	sdelay $0x4  }
0xbf: {  	[tilespmem:s26+$0xFFFFFFE0] =	vst v1  }
0xc0: {  	v1 =	vld [tilespmem:s28+$0xB0];
	_ =	sdelay $0x4  }
0xc1: {  	[tilespmem:s26+$0xFFFFFFF0] =	vst v1  }
0xc2: {  	v1 =	vld [tilespmem:s28+$0xC0];
	_ =	sdelay $0x4  }
0xc3: {  	[tilespmem:s26+$0x0] =	vst v1  }
0xc4: {  	v1 =	vld [tilespmem:s28+$0xD0];
	_ =	sdelay $0x4  }
0xc5: {  	[tilespmem:s26+$0x10] =	vst v1  }
0xc6: {  	v1 =	vld [tilespmem:s28+$0xE0];
	_ =	sdelay $0x4  }
0xc7: {  	[tilespmem:s26+$0x20] =	vst v1  }
0xc8: {  	v1 =	vld [tilespmem:s28+$0xF0]  }
.Ltmp3:
0xc9: {  	(pc) =	sbr.rel @p1 .LBB2_8-.Ltmp3, $2  }
0xca: {  	_ =	sdelay $0x2  }
0xcb: {  	s28 =	sshra.s32 s29, $0x2;
	s29 =	sadd.s32 $0x400, s29;
	[tilespmem:s26+$0x30] =	vst v1  }
0xcc: {  	v1 =	vld [tilespmem:s28+$0x80];
	_ =	sdelay $0x3  }
0xcd: {  	s26 =	sadd.s32 $0x80, s26  }
0xce: {  	[tilespmem:s26+$0xFFFFFFC0] =	vst v1  }
0xcf: {  	v1 =	vld [tilespmem:s28+$0x90];
	_ =	sdelay $0x4  }
0xd0: {  	[tilespmem:s26+$0xFFFFFFD0] =	vst v1  }
0xd1: {  	v1 =	vld [tilespmem:s28+$0xA0];
	_ =	sdelay $0x4  }
0xd2: {  	[tilespmem:s26+$0xFFFFFFE0] =	vst v1  }
0xd3: {  	v1 =	vld [tilespmem:s28+$0xB0];
	_ =	sdelay $0x4  }
0xd4: {  	[tilespmem:s26+$0xFFFFFFF0] =	vst v1  }
0xd5: {  	v1 =	vld [tilespmem:s28+$0xC0];
	_ =	sdelay $0x4  }
0xd6: {  	[tilespmem:s26+$0x0] =	vst v1  }
0xd7: {  	v1 =	vld [tilespmem:s28+$0xD0];
	_ =	sdelay $0x4  }
0xd8: {  	[tilespmem:s26+$0x10] =	vst v1  }
0xd9: {  	v1 =	vld [tilespmem:s28+$0xE0];
	_ =	sdelay $0x4  }
0xda: {  	[tilespmem:s26+$0x20] =	vst v1  }
0xdb: {  	v1 =	vld [tilespmem:s28+$0xF0];
	_ =	sdelay $0x4  }
0xdc: {  	s30 =	simm.s32 $0x0;
	[tilespmem:s26+$0x30] =	vst v1  }
0xdd: {  	[tilespmem:s15], [sflag:$0x1] =	stream.indirect.gather [hbm4b:s4+s17], $0x80, s30, s17, $0xb8;
	[tilespmem:$0x1FC00] =	vst v63  }
0xde: {  	_ = 	snop  }
0xdf: {  	[tilespmem:s19], [sflag:$0x2] =	stream.indirect.gather [hbm4b:s4+s17], $0x80, s18, s17, $0xb8;
	[tilespmem:$0x1FC00] =	vst v63  }
0xe0: {  	_ =	swait.ge [sflag:s20], $0x4000  }
0xe1: {  	[sflag:s20] =	ssyncset.done $0x0  }
0xe2: {  	s31 =	simm.s32 $0x2800;
	[sflag:s20] =	ssyncadd.s32 $0xFFFFC000  }
0xe3: {  	[spmem:s2] =	stream.indirect.scatter.add.f32 [tilespmem:s15], [sflag:$0x3], $0x80, s31, s17, $0xb8;
	[tilespmem:$0x1FC00] =	vst v63  }
0xe4: {  	_ =	swait.ge [sflag:s16], $0x4000  }
0xe5: {  	[sflag:s16] =	ssyncset.done $0x0  }
0xe6: {  	s30 =	simm.s32 $0x200;
	[sflag:s16] =	ssyncadd.s32 $0xFFFFC000  }
0xe7: {  	[tilespmem:s15], [sflag:$0x1] =	stream.indirect.gather [hbm4b:s4+s17], $0x80, s30, s17, $0xb8;
	[tilespmem:$0x1FC00] =	vst v63  }
0xe8: {  	_ =	swait.ge [sflag:s21], $0x4000  }
0xe9: {  	[sflag:s21] =	ssyncset.done $0x0  }
0xea: {  	s31 =	simm.s32 $0x2880;
	[sflag:s21] =	ssyncadd.s32 $0xFFFFC000  }
0xeb: {  	[spmem:s2] =	stream.indirect.scatter.add.f32 [tilespmem:s19], [sflag:$0x3], $0x80, s31, s17, $0xb8;
	[tilespmem:$0x1FC00] =	vst v63  }
0xec: {  	_ =	swait.ge [sflag:s16], $0x4000  }
0xed: {  	s29 =	simm.s32 $0x500;
	[sflag:s16] =	ssyncset.done $0x0  }
0xee: {  	s28 =	simm.s32 $0x400;
	s26 =	simm.s32 $0x300;
	[sflag:s16] =	ssyncadd.s32 $0xFFFFC000  }
.LBB2_10:
0xef: {  	[tilespmem:s19], [sflag:$0x2] =	stream.indirect.gather [hbm4b:s4+s17], $0x80, s26, s17, $0xb8;
	[tilespmem:$0x1FC00] =	vst v63  }
0xf0: {  	s30 =	smov.u32 s28;
	s26 =	smov.u32 s29  }
0xf1: {  	p1 =	sne.s32 s28, $0x4400;
	s28 =	sadd.s32 $0x400, s28;
	_ =	swait.ge [sflag:s20], $0x4000  }
0xf2: {  	s30 =	sshra.s32 s30, $0x2;
	[sflag:s20] =	ssyncset.done $0x0  }
0xf3: {  	s31 =	sadd.s32 $0x2800, s30;
	[sflag:s20] =	ssyncadd.s32 $0xFFFFC000  }
0xf4: {  	[spmem:s2] =	stream.indirect.scatter.add.f32 [tilespmem:s15], [sflag:$0x3], $0x80, s31, s17, $0xb8;
	[tilespmem:$0x1FC00] =	vst v63  }
0xf5: {  	_ =	swait.ge [sflag:s16], $0x4000  }
0xf6: {  	[sflag:s16] =	ssyncset.done $0x0  }
0xf7: {  	s31 =	sadd.s32 $0xFFFFFF00, s29;
	[sflag:s16] =	ssyncadd.s32 $0xFFFFC000  }
0xf8: {  	[tilespmem:s15], [sflag:$0x1] =	stream.indirect.gather [hbm4b:s4+s17], $0x80, s31, s17, $0xb8;
	[tilespmem:$0x1FC00] =	vst v63  }
0xf9: {  	_ =	swait.ge [sflag:s21], $0x4000  }
0xfa: {  	[sflag:s21] =	ssyncset.done $0x0  }
.Ltmp4:
0xfb: {  	s30 =	sadd.s32 $0x2880, s30;
	[sflag:s21] =	ssyncadd.s32 $0xFFFFC000;
	(pc) =	sbr.rel @p1 .LBB2_10-.Ltmp4, $4  }
0xfc: {  	[spmem:s2] =	stream.indirect.scatter.add.f32 [tilespmem:s19], [sflag:$0x3], $0x80, s30, s17, $0xb8;
	[tilespmem:$0x1FC00] =	vst v63  }
0xfd: {  	_ =	swait.ge [sflag:s16], $0x4000  }
0xfe: {  	[sflag:s16] =	ssyncset.done $0x0  }
0xff: {  	s29 =	sadd.s32 $0x200, s29;
	[sflag:s16] =	ssyncadd.s32 $0xFFFFC000  }
0x100: {  	[tilespmem:s19], [sflag:$0x2] =	stream.indirect.gather [hbm4b:s4+s17], $0x80, s26, s17, $0xb8;
	[tilespmem:$0x1FC00] =	vst v63  }
0x101: {  	_ =	swait.ge [sflag:s20], $0x4000  }
0x102: {  	[sflag:s20] =	ssyncset.done $0x0  }
0x103: {  	[sflag:s20] =	ssyncadd.s32 $0xFFFFC000  }
0x104: {  	[spmem:s2] =	stream.indirect.scatter.add.f32 [tilespmem:s15], [sflag:$0x3], $0x80, s24, s17, $0xb8;
	[tilespmem:$0x1FC00] =	vst v63  }
0x105: {  	_ =	swait.ge [sflag:s16], $0x4000  }
0x106: {  	[sflag:s16] =	ssyncset.done $0x0  }
0x107: {  	[sflag:s16] =	ssyncadd.s32 $0xFFFFC000  }
0x108: {  	_ =	swait.ge [sflag:s21], $0x4000  }
0x109: {  	[sflag:s21] =	ssyncset.done $0x0  }
0x10a: {  	[sflag:s21] =	ssyncadd.s32 $0xFFFFC000  }
0x10b: {  	[spmem:s2] =	stream.indirect.scatter.add.f32 [tilespmem:s19], [sflag:$0x3], $0x80, s25, s17, $0xb8;
	[tilespmem:$0x1FC00] =	vst v63  }
0x10c: {  	_ =	swait.ge [sflag:s16], $0x4000  }
0x10d: {  	[sflag:s16] =	ssyncset.done $0x0  }
0x10e: {  	s26 =	simm.s32 @!p0 $0x0;
	s28 =	simm.s32 @!p0 $0x3;
	[sflag:s16] =	ssyncadd.s32 $0xFFFFC000  }
0x10f: {  	[tilespmem:s26], [sflag:$0x3] =	stream.linear.gather @!p0 [hbm4b:s12+s26], $0x200, $0x38;
	[tilespmem:$0x1FC00] =	vst v63  }
0x110: {  	_ =	swait.ge @!p0 [sflag:s28], $0x200  }
0x111: {  	[sflag:s28] =	ssyncset.done @!p0 $0x0  }
0x112: {  	[sflag:s28] =	ssyncadd.s32 @!p0 $0xFFFFFE00  }
0x113: {  	v1 =	vld @!p0 [tilespmem:$0x80]  }
0x114: {  	v2 =	vld @!p0 [tilespmem:$0x90]  }
0x115: {  	v3 =	vld @!p0 [tilespmem:$0xA0]  }
0x116: {  	v4 =	vld @!p0 [tilespmem:$0xB0]  }
0x117: {  	v5 =	vld @!p0 [tilespmem:$0xC0]  }
0x118: {  	[tilespmem:$0x2800] =	vst @!p0 v1;
	v1 =	vld @!p0 [tilespmem:$0xD0]  }
0x119: {  	[tilespmem:$0x2810] =	vst @!p0 v2;
	v2 =	vld @!p0 [tilespmem:$0xE0]  }
0x11a: {  	[tilespmem:$0x2820] =	vst @!p0 v3;
	v3 =	vld @!p0 [tilespmem:$0xF0]  }
0x11b: {  	[tilespmem:$0x2830] =	vst @!p0 v4;
	v4 =	vld @!p0 [tilespmem:$0x180]  }
0x11c: {  	[tilespmem:$0x2840] =	vst @!p0 v5;
	v5 =	vld @!p0 [tilespmem:$0x190]  }
0x11d: {  	[tilespmem:$0x2850] =	vst @!p0 v1;
	v1 =	vld @!p0 [tilespmem:$0x1A0]  }
0x11e: {  	[tilespmem:$0x2860] =	vst @!p0 v2;
	v2 =	vld @!p0 [tilespmem:$0x1B0]  }
0x11f: {  	[tilespmem:$0x2870] =	vst @!p0 v3;
	v3 =	vld @!p0 [tilespmem:$0x1C0]  }
0x120: {  	[tilespmem:$0x2880] =	vst @!p0 v4;
	v4 =	vld @!p0 [tilespmem:$0x1D0]  }
0x121: {  	[tilespmem:$0x2890] =	vst @!p0 v5;
	v5 =	vld @!p0 [tilespmem:$0x1E0]  }
0x122: {  	[tilespmem:$0x28A0] =	vst @!p0 v1;
	v1 =	vld @!p0 [tilespmem:$0x1F0]  }
0x123: {  	[tilespmem:$0x28B0] =	vst @!p0 v2  }
0x124: {  	[tilespmem:$0x28C0] =	vst @!p0 v3  }
0x125: {  	[tilespmem:$0x28D0] =	vst @!p0 v4  }
0x126: {  	[tilespmem:$0x28E0] =	vst @!p0 v5  }
0x127: {  	s29 =	simm.s32 @!p0 $0x80;
	s30 =	simm.s32 @!p0 $0x3C00;
	[tilespmem:$0x28F0] =	vst @!p0 v1  }
0x128: {  	[tilespmem:s30], [sflag:$0x3] =	stream.indirect.gather @!p0 [hbm4b:s4+s29], $0x80, s26, s29, $0xb8;
	[tilespmem:$0x1FC00] =	vst v63  }
0x129: {  	_ =	swait.ge @!p0 [sflag:s28], $0x4000  }
0x12a: {  	[sflag:s28] =	ssyncset.done @!p0 $0x0  }
0x12b: {  	s26 =	simm.s32 @!p0 $0x2800;
	[sflag:s28] =	ssyncadd.s32 @!p0 $0xFFFFC000  }
0x12c: {  	[spmem:s2] =	stream.indirect.scatter.add.f32 @!p0 [tilespmem:s30], [sflag:$0x3], $0x80, s26, s29, $0xb8;
	[tilespmem:$0x1FC00] =	vst v63  }
0x12d: {  	_ =	swait.ge @!p0 [sflag:s28], $0x4000  }
0x12e: {  	[sflag:s28] =	ssyncset.done @!p0 $0x0  }
0x12f: {  	s26 =	simm.s32 @!p0 $0x100;
	[sflag:s28] =	ssyncadd.s32 @!p0 $0xFFFFC000  }
0x130: {  	[tilespmem:s30], [sflag:$0x3] =	stream.indirect.gather @!p0 [hbm4b:s4+s29], $0x80, s26, s29, $0xb8;
	[tilespmem:$0x1FC00] =	vst v63  }
0x131: {  	_ =	swait.ge @!p0 [sflag:s28], $0x4000  }
0x132: {  	[sflag:s28] =	ssyncset.done @!p0 $0x0  }
0x133: {  	s26 =	simm.s32 @!p0 $0x2880;
	[sflag:s28] =	ssyncadd.s32 @!p0 $0xFFFFC000  }
0x134: {  	[spmem:s2] =	stream.indirect.scatter.add.f32 @!p0 [tilespmem:s30], [sflag:$0x3], $0x80, s26, s29, $0xb8;
	[tilespmem:$0x1FC00] =	vst v63  }
0x135: {  	_ =	swait.ge @!p0 [sflag:s28], $0x4000  }
0x136: {  	s31 =	sshrl.u32 s5, $0x3;
	s3 =	sadd.s32 $0x1, s3;
	[sflag:s28] =	ssyncset.done @!p0 $0x0  }
0x137: {  	p1 =	sne.s32 s3, s14;
	s30 =	sshll.u32 s1, $0x6;
	[sflag:s28] =	ssyncadd.s32 @!p0 $0xFFFFC000  }
.Ltmp5:
0x138: {  	s26 =	sor.u32 $0x1C03, s30;
	[bflag:$0x0] =	sbarrier.arrive $0xFFFF;
	(pc) =	sbr.rel @p1 .LBB2_1-.Ltmp5, $4  }
0x139: {  	[hbm:s13], [sflag:s26] =	dma.local [spmem:s31], $0x2800  }
0x13a: {  	_ =	swait.ge [sflag:s16], $0x2800  }
0x13b: {  	[sflag:s16] =	ssyncset.done $0x0  }
0x13c: {  	[sflag:s16] =	ssyncadd.s32 $0xFFFFD800  }
0x13d: {  	_ =	sfence.sel $0x180000  }
0x13e: {  	[bflag:$0x0] =	sbarrier.arrive $0xFFFF  }
0x13f: {  	_ =	strace $0x9000004A  }
0x140: {  	s0 =	sadd.s32 @!p0 $0x100000, s0;
	[bflag:$0x2] =	sbarrier.arrive $0xFFFF  }
0x141: {  	[sflag:s0] =	ssyncadd.tile.s32 @!p0 $0x1;
	_ =	shalt  }
.Lfunc_end2:
_tile_overlayer_lowered:
.L_overlay_start_2:
0x142: {  	(tag) =	ssettag $0x2  }
0x143: {  	s0 =	rddreg [dreg:$0x0];
	s2 =	stileid.u32  }
0x144: {  	s1 =	rddreg [dreg:$0x1];
	p0 =	sne.s32 s2, $0x0  }
0x145: {  	s3 =	rddreg [dreg:$0x2];
	[bflag:$0x3] =	sbarrier.arrive $0xFFFF;
	s2 =	simm.s32 @!p0 $0x1C03  }
0x146: {  	[timem:s3], [sflag:s2] =	dma.local @!p0 [hbm:s0], s1  }
0x147: {  	s0 =	simm.s32 @!p0 $0x3  }
0x148: {  	_ =	swait.ge @!p0 [sflag:s0], s1  }
0x149: {  	s1 =	ssub.s32 @!p0 $0x0, s1;
	[sflag:s0] =	ssyncset.done @!p0 $0x0  }
0x14a: {  	[sflag:s0] =	ssyncadd.s32 @!p0 s1  }
0x14b: {  	[bflag:$0x3] =	sbarrier.arrive $0xFFFF  }
0x14c: {  	_ =	shalt  }

</sc_bundles>
